<compile_context>
chip_gen: v7x
topology: tpu7x:2x2x1
jax: 0.10.2.dev20260603
libtpu: 0.0.44.dev20260713+nightly
codegen_flags: <defaults>
</compile_context>

<pallas_src>
import functools
import math

import jax
import jax.numpy as jnp
from jax import lax
from jax.experimental import pallas as pl
from jax.experimental.pallas import tpu as pltpu
from jax.experimental.pallas import tpu_sc as plsc

_NUM_CHANNELS = 64
_N_TOKENS = 32768
_D = 16
_DISC = 8
_NC = 2
_NS = 16
_NW = _NC * _NS
_L = 16
_TOK_PER_W = _N_TOKENS // _NW
_GROUPS = _TOK_PER_W // _L

_mesh = plsc.VectorSubcoreMesh(core_axis_name="c", subcore_axis_name="s")


@functools.partial(
    pl.kernel,
    out_type=jax.ShapeDtypeStruct((_N_TOKENS,), jnp.float32),
    mesh=_mesh,
    compiler_params=pltpu.CompilerParams(needs_layout_passes=False),
    scratch_types=[
        pltpu.VMEM((_D + 1, _TOK_PER_W), jnp.float32),
        pltpu.VMEM((_TOK_PER_W,), jnp.int32),
        pltpu.VMEM((_D, _NUM_CHANNELS), jnp.float32),
        pltpu.VMEM((_D, _NUM_CHANNELS), jnp.float32),
        pltpu.VMEM((_NUM_CHANNELS * _DISC,), jnp.float32),
        pltpu.VMEM((_TOK_PER_W,), jnp.float32),
        pltpu.SemaphoreType.DMA,
    ],
)
def _sc_integrand(xt_hbm, ch_hbm, niv_hbm, av_hbm, tb_hbm, out_hbm,
                  xt_v, ch_v, niv_v, av_v, tb_v, out_v, sem):
    wid = lax.axis_index("s") * _NC + lax.axis_index("c")
    base = wid * _TOK_PER_W
    copies = [
        pltpu.async_copy(xt_hbm.at[:, pl.ds(base, _TOK_PER_W)], xt_v, sem),
        pltpu.async_copy(ch_hbm.at[pl.ds(base, _TOK_PER_W)], ch_v, sem),
        pltpu.async_copy(niv_hbm, niv_v, sem),
        pltpu.async_copy(av_hbm, av_v, sem),
        pltpu.async_copy(tb_hbm, tb_v, sem),
    ]
    for cp in copies:
        cp.wait()

    @plsc.parallel_loop(0, _GROUPS, 1, unroll=1)
    def _group(g):
        tok = pl.ds(g * _L, _L)
        ch = ch_v[tok]
        xi = jnp.clip(xt_v[_D, tok].astype(jnp.int32), 0, _DISC - 1)
        tbg = plsc.load_gather(tb_v, [ch * _DISC + xi])
        accs = []
        for d in range(_D):
            xv = xt_v[d, tok]
            nivd = plsc.load_gather(niv_v.at[d], [ch])
            avd = plsc.load_gather(av_v.at[d], [ch])
            term = xv * (xv * nivd + avd)
            if d < 4:
                accs.append(term)
            else:
                accs[d % 4] = accs[d % 4] + term
        out_v[tok] = jnp.exp(
            ((accs[0] + accs[1]) + (accs[2] + accs[3])) + tbg)

    pltpu.sync_copy(out_v, out_hbm.at[pl.ds(base, _TOK_PER_W)])


def kernel(x, channel, mu, log_sigma, disc_logits):
    invvar = jnp.exp(-2.0 * log_sigma)
    niv = -0.5 * invvar
    av = mu * invvar
    bias = (-0.5 * jnp.sum(mu * mu * invvar, axis=1)
            - jnp.sum(log_sigma, axis=1)
            - 0.5 * _D * math.log(2.0 * math.pi)
            - jax.nn.logsumexp(disc_logits, axis=1))
    tb = disc_logits + bias[:, None]
    xt = x.T
    return _sc_integrand(xt, channel, niv.T, av.T, tb.reshape(-1))

# --- scband reference (transcript-rebuilt; emitter-appended) ---
"""Pipeline reference for scband-integrand-distribution-73100343378002 (READ-ONLY COPY).

The authoritative reference and input builder live on the scoring server;
editing this copy changes nothing except your own understanding.
"""

import jax, jax.numpy as jnp
import numpy as np

NUM_CHANNELS = 64
N_TOKENS = 32768
LATENT_FLOAT_DIM = 16
DISC_CARD = 8


def setup_inputs(seed: int = 0) -> dict:
    key = jax.random.key(seed)
    k1, k2, k3, k4, k5 = jax.random.split(key, 5)
    # x: concatenated latents, columns [0:16] float latent, column [16] integer-like latent
    x = jax.random.normal(k1, (N_TOKENS, LATENT_FLOAT_DIM + 1), dtype=jnp.float32)
    # channel id per sample (routing index), values in [0, NUM_CHANNELS)
    channel = jax.random.randint(k2, (N_TOKENS,), 0, NUM_CHANNELS, dtype=jnp.int32)
    # learned per-channel integrand parameters (stand-in for me.IntegrandProbability runtime)
    mu = jax.random.normal(k3, (NUM_CHANNELS, LATENT_FLOAT_DIM), dtype=jnp.float32) * 0.5
    log_sigma = jax.random.normal(k4, (NUM_CHANNELS, LATENT_FLOAT_DIM), dtype=jnp.float32) * 0.1
    disc_logits = jax.random.normal(k5, (NUM_CHANNELS, DISC_CARD), dtype=jnp.float32)
    return {"x": x, "channel": channel, "mu": mu, "log_sigma": log_sigma, "disc_logits": disc_logits}


def reference(x, channel, mu, log_sigma, disc_logits):
    # channel_remap_function = identity
    remapped = channel
    # sort samples by channel (groups tokens per channel, as in x[channel_perm])
    channel_perm = jnp.argsort(remapped)
    x_sorted = x[channel_perm]
    seg = remapped[channel_perm]
    # per-channel counts passed to the multi-channel function runtime (bincount -> int32)
    counts = jnp.bincount(seg, length=NUM_CHANNELS).astype(jnp.int32)
    # channel_mask is all-ones at init, so counts pass through unchanged
    _ = counts
    # split latents per latent_dims=[16,1], latent_float=[True,False]
    xf = x_sorted[:, :LATENT_FLOAT_DIM]
    xi = jnp.clip(x_sorted[:, LATENT_FLOAT_DIM].astype(jnp.int32), 0, DISC_CARD - 1)
    # multi-channel integrand probability: per-channel diagonal Gaussian on float latents
    # times per-channel categorical weight on the integer latent
    sigma = jnp.exp(log_sigma)
    z = (xf - mu[seg]) / sigma[seg]
    log_prob = (-0.5 * jnp.sum(z * z, axis=1)
                - jnp.sum(log_sigma[seg], axis=1)
                - 0.5 * LATENT_FLOAT_DIM * jnp.log(2.0 * jnp.pi))
    disc = jax.nn.softmax(disc_logits, axis=1)
    disc_w = disc[seg, xi]
    prob_sorted = jnp.exp(log_prob) * disc_w
    # invert the permutation to restore original sample order
    channel_perm_inv = jnp.argsort(channel_perm)
    return prob_sorted[channel_perm_inv]

if __name__ == "__main__":
    import jax
    _d = setup_inputs()
    print(jax.jit(kernel)(*tuple(_d.values())))

</pallas_src>

<mosaic_0001>
#map = affine_map<(d0, d1) -> (0, 0)>
#map1 = affine_map<(d0, d1) -> (0)>
module attributes {stable_mosaic.version = 14 : i64} {
  func.func @_sc_integrand(%arg0: i32, %arg1: i32, %arg2: memref<17x32768xf32, #tpu.memory_space<hbm>>, %arg3: memref<32768xi32, #tpu.memory_space<hbm>>, %arg4: memref<16x64xf32, #tpu.memory_space<hbm>>, %arg5: memref<16x64xf32, #tpu.memory_space<hbm>>, %arg6: memref<512xf32, #tpu.memory_space<hbm>>, %arg7: memref<32768xf32, #tpu.memory_space<hbm>>, %arg8: memref<17x1024xf32, #tpu.memory_space<vmem>>, %arg9: memref<1024xi32, #tpu.memory_space<vmem>>, %arg10: memref<16x64xf32, #tpu.memory_space<vmem>>, %arg11: memref<16x64xf32, #tpu.memory_space<vmem>>, %arg12: memref<512xf32, #tpu.memory_space<vmem>>, %arg13: memref<1024xf32, #tpu.memory_space<vmem>>, %arg14: memref<!tpu.dma_semaphore, #tpu.memory_space<semaphore_mem>>) attributes {dimension_semantics = [#tpu.dimension_semantics<core_parallel>, #tpu.dimension_semantics<subcore_parallel>], iteration_bounds = array<i64: 2, 16>, scalar_prefetch = 0 : i64, scratch_operands = 7 : i64, tpu.core_type = #tpu.core_type<sc_vector_subcore>, window_params = [{transform_indices = #map}, {transform_indices = #map1}, {transform_indices = #map}, {transform_indices = #map}, {transform_indices = #map1}, {transform_indices = #map1}]} {
    %mul3A = arith.constant 2 : i32
    %mul3A_0 = arith.muli %arg1, %mul3A : i32
    %add3A = arith.addi %mul3A_0, %arg0 : i32
    %mul3A_1 = arith.constant 1024 : i32
    %mul3A_2 = arith.muli %add3A, %mul3A_1 : i32
    %dma_start3A = arith.constant 0 : i32
    %dma_start3A_3 = tpu.memref_slice %arg2[%dma_start3A, %mul3A_2] : memref<17x32768xf32, #tpu.memory_space<hbm>> -> memref<17x1024xf32, #tpu.memory_space<hbm>>
    %dma_start3A_4 = arith.constant 0 : i32
    %dma_start3A_5 = tpu.memref_slice %arg2[%dma_start3A_4, %mul3A_2] : memref<17x32768xf32, #tpu.memory_space<hbm>> -> memref<17x1024xf32, #tpu.memory_space<hbm>>
    tpu.enqueue_dma source(%dma_start3A_5 : memref<17x1024xf32, #tpu.memory_space<hbm>>) target(%arg8 : memref<17x1024xf32, #tpu.memory_space<vmem>>) target_semaphore(%arg14 : memref<!tpu.dma_semaphore, #tpu.memory_space<semaphore_mem>>)
    %dma_start3A_6 = tpu.memref_slice %arg3[%mul3A_2] : memref<32768xi32, #tpu.memory_space<hbm>> -> memref<1024xi32, #tpu.memory_space<hbm>>
    %dma_start3A_7 = tpu.memref_slice %arg3[%mul3A_2] : memref<32768xi32, #tpu.memory_space<hbm>> -> memref<1024xi32, #tpu.memory_space<hbm>>
    tpu.enqueue_dma source(%dma_start3A_7 : memref<1024xi32, #tpu.memory_space<hbm>>) target(%arg9 : memref<1024xi32, #tpu.memory_space<vmem>>) target_semaphore(%arg14 : memref<!tpu.dma_semaphore, #tpu.memory_space<semaphore_mem>>)
    tpu.enqueue_dma source(%arg4 : memref<16x64xf32, #tpu.memory_space<hbm>>) target(%arg10 : memref<16x64xf32, #tpu.memory_space<vmem>>) target_semaphore(%arg14 : memref<!tpu.dma_semaphore, #tpu.memory_space<semaphore_mem>>)
    tpu.enqueue_dma source(%arg5 : memref<16x64xf32, #tpu.memory_space<hbm>>) target(%arg11 : memref<16x64xf32, #tpu.memory_space<vmem>>) target_semaphore(%arg14 : memref<!tpu.dma_semaphore, #tpu.memory_space<semaphore_mem>>)
    tpu.enqueue_dma source(%arg6 : memref<512xf32, #tpu.memory_space<hbm>>) target(%arg12 : memref<512xf32, #tpu.memory_space<vmem>>) target_semaphore(%arg14 : memref<!tpu.dma_semaphore, #tpu.memory_space<semaphore_mem>>)
    %dma_wait3A = arith.constant 0 : i32
    %dma_wait3A_8 = tpu.memref_slice %arg2[%dma_wait3A, %mul3A_2] : memref<17x32768xf32, #tpu.memory_space<hbm>> -> memref<17x1024xf32, #tpu.memory_space<hbm>>
    %dma_wait3A_9 = arith.constant 0 : i32
    %dma_wait3A_10 = tpu.memref_slice %arg2[%dma_wait3A_9, %mul3A_2] : memref<17x32768xf32, #tpu.memory_space<hbm>> -> memref<17x1024xf32, #tpu.memory_space<hbm>>
    tpu.wait_dma2 semaphore(%arg14 : memref<!tpu.dma_semaphore, #tpu.memory_space<semaphore_mem>>) src(%dma_wait3A_10 : memref<17x1024xf32, #tpu.memory_space<hbm>>) dst(%arg8 : memref<17x1024xf32, #tpu.memory_space<vmem>>)
    %dma_wait3A_11 = tpu.memref_slice %arg3[%mul3A_2] : memref<32768xi32, #tpu.memory_space<hbm>> -> memref<1024xi32, #tpu.memory_space<hbm>>
    %dma_wait3A_12 = tpu.memref_slice %arg3[%mul3A_2] : memref<32768xi32, #tpu.memory_space<hbm>> -> memref<1024xi32, #tpu.memory_space<hbm>>
    tpu.wait_dma2 semaphore(%arg14 : memref<!tpu.dma_semaphore, #tpu.memory_space<semaphore_mem>>) src(%dma_wait3A_12 : memref<1024xi32, #tpu.memory_space<hbm>>) dst(%arg9 : memref<1024xi32, #tpu.memory_space<vmem>>)
    tpu.wait_dma2 semaphore(%arg14 : memref<!tpu.dma_semaphore, #tpu.memory_space<semaphore_mem>>) src(%arg4 : memref<16x64xf32, #tpu.memory_space<hbm>>) dst(%arg10 : memref<16x64xf32, #tpu.memory_space<vmem>>)
    tpu.wait_dma2 semaphore(%arg14 : memref<!tpu.dma_semaphore, #tpu.memory_space<semaphore_mem>>) src(%arg5 : memref<16x64xf32, #tpu.memory_space<hbm>>) dst(%arg11 : memref<16x64xf32, #tpu.memory_space<vmem>>)
    tpu.wait_dma2 semaphore(%arg14 : memref<!tpu.dma_semaphore, #tpu.memory_space<semaphore_mem>>) src(%arg6 : memref<512xf32, #tpu.memory_space<hbm>>) dst(%arg12 : memref<512xf32, #tpu.memory_space<vmem>>)
    %parallel_loop3A = arith.constant 0 : i32
    %parallel_loop3A_13 = arith.constant 64 : i32
    %parallel_loop3A_14 = arith.constant 1 : i32
    scf.for %parallel_loop3A_15 = %parallel_loop3A to %parallel_loop3A_13 step %parallel_loop3A_14  : i32 {
      %parallel_loop3A_16 = arith.constant 16 : i32
      %parallel_loop3A_17 = arith.muli %parallel_loop3A_15, %parallel_loop3A_16 : i32
      %parallel_loop3A_18 = arith.index_cast %parallel_loop3A_17 : i32 to index
      %parallel_loop3A_19 = tpu.vector_load %arg9[%parallel_loop3A_18] {strides = array<i32>} : memref<1024xi32, #tpu.memory_space<vmem>>, vector<16xi32>,
      %parallel_loop3A_20 = arith.constant 16 : i32
      %parallel_loop3A_21 = arith.index_cast %parallel_loop3A_20 : i32 to index
      %parallel_loop3A_22 = arith.index_cast %parallel_loop3A_17 : i32 to index
      %parallel_loop3A_23 = tpu.vector_load %arg8[%parallel_loop3A_21, %parallel_loop3A_22] {strides = array<i32>} : memref<17x1024xf32, #tpu.memory_space<vmem>>, vector<16xf32>,
      %parallel_loop3A_24 = arith.fptosi %parallel_loop3A_23 : vector<16xf32> to vector<16xi32>
      %parallel_loop3A_25 = arith.constant 0 : i32
      %parallel_loop3A_26 = arith.constant 7 : i32
      %parallel_loop3A_27 = vector.broadcast %parallel_loop3A_25 : i32 to vector<16xi32>
      %parallel_loop3A_28 = arith.maxsi %parallel_loop3A_27, %parallel_loop3A_24 : vector<16xi32>
      %parallel_loop3A_29 = vector.broadcast %parallel_loop3A_26 : i32 to vector<16xi32>
      %parallel_loop3A_30 = arith.minsi %parallel_loop3A_29, %parallel_loop3A_28 : vector<16xi32>
      %parallel_loop3A_31 = arith.constant 8 : i32
      %parallel_loop3A_32 = vector.broadcast %parallel_loop3A_31 : i32 to vector<16xi32>
      %parallel_loop3A_33 = arith.muli %parallel_loop3A_19, %parallel_loop3A_32 : vector<16xi32>
      %parallel_loop3A_34 = arith.addi %parallel_loop3A_33, %parallel_loop3A_30 : vector<16xi32>
      %parallel_loop3A_35 = tpu.vector_load_idx %arg12[%parallel_loop3A_34] : memref<512xf32, #tpu.memory_space<vmem>>[vector<16xi32>], vector<16xf32>,
      %parallel_loop3A_36 = arith.constant 0 : i32
      %parallel_loop3A_37 = arith.index_cast %parallel_loop3A_36 : i32 to index
      %parallel_loop3A_38 = arith.index_cast %parallel_loop3A_17 : i32 to index
      %parallel_loop3A_39 = tpu.vector_load %arg8[%parallel_loop3A_37, %parallel_loop3A_38] {strides = array<i32>} : memref<17x1024xf32, #tpu.memory_space<vmem>>, vector<16xf32>,
      %parallel_loop3A_40 = arith.constant 0 : i32
      %parallel_loop3A_41 = arith.constant 0 : i32
      %parallel_loop3A_42 = tpu.memref_slice %arg10[%parallel_loop3A_40, %parallel_loop3A_41] : memref<16x64xf32, #tpu.memory_space<vmem>> -> memref<1x64xf32, #tpu.memory_space<vmem>>
      %parallel_loop3A_43 = tpu.memref_squeeze %parallel_loop3A_42 : memref<1x64xf32, #tpu.memory_space<vmem>> -> memref<64xf32, #tpu.memory_space<vmem>>
      %parallel_loop3A_44 = tpu.vector_load_idx %parallel_loop3A_43[%parallel_loop3A_19] : memref<64xf32, #tpu.memory_space<vmem>>[vector<16xi32>], vector<16xf32>,
      %parallel_loop3A_45 = arith.constant 0 : i32
      %parallel_loop3A_46 = arith.constant 0 : i32
      %parallel_loop3A_47 = tpu.memref_slice %arg11[%parallel_loop3A_45, %parallel_loop3A_46] : memref<16x64xf32, #tpu.memory_space<vmem>> -> memref<1x64xf32, #tpu.memory_space<vmem>>
      %parallel_loop3A_48 = tpu.memref_squeeze %parallel_loop3A_47 : memref<1x64xf32, #tpu.memory_space<vmem>> -> memref<64xf32, #tpu.memory_space<vmem>>
      %parallel_loop3A_49 = tpu.vector_load_idx %parallel_loop3A_48[%parallel_loop3A_19] : memref<64xf32, #tpu.memory_space<vmem>>[vector<16xi32>], vector<16xf32>,
      %parallel_loop3A_50 = arith.mulf %parallel_loop3A_39, %parallel_loop3A_44 : vector<16xf32>
      %parallel_loop3A_51 = arith.addf %parallel_loop3A_50, %parallel_loop3A_49 : vector<16xf32>
      %parallel_loop3A_52 = arith.mulf %parallel_loop3A_39, %parallel_loop3A_51 : vector<16xf32>
      %parallel_loop3A_53 = arith.constant 1 : i32
      %parallel_loop3A_54 = arith.index_cast %parallel_loop3A_53 : i32 to index
      %parallel_loop3A_55 = arith.index_cast %parallel_loop3A_17 : i32 to index
      %parallel_loop3A_56 = tpu.vector_load %arg8[%parallel_loop3A_54, %parallel_loop3A_55] {strides = array<i32>} : memref<17x1024xf32, #tpu.memory_space<vmem>>, vector<16xf32>,
      %parallel_loop3A_57 = arith.constant 1 : i32
      %parallel_loop3A_58 = arith.constant 0 : i32
      %parallel_loop3A_59 = tpu.memref_slice %arg10[%parallel_loop3A_57, %parallel_loop3A_58] : memref<16x64xf32, #tpu.memory_space<vmem>> -> memref<1x64xf32, #tpu.memory_space<vmem>>
      %parallel_loop3A_60 = tpu.memref_squeeze %parallel_loop3A_59 : memref<1x64xf32, #tpu.memory_space<vmem>> -> memref<64xf32, #tpu.memory_space<vmem>>
      %parallel_loop3A_61 = tpu.vector_load_idx %parallel_loop3A_60[%parallel_loop3A_19] : memref<64xf32, #tpu.memory_space<vmem>>[vector<16xi32>], vector<16xf32>,
      %parallel_loop3A_62 = arith.constant 1 : i32
      %parallel_loop3A_63 = arith.constant 0 : i32
      %parallel_loop3A_64 = tpu.memref_slice %arg11[%parallel_loop3A_62, %parallel_loop3A_63] : memref<16x64xf32, #tpu.memory_space<vmem>> -> memref<1x64xf32, #tpu.memory_space<vmem>>
      %parallel_loop3A_65 = tpu.memref_squeeze %parallel_loop3A_64 : memref<1x64xf32, #tpu.memory_space<vmem>> -> memref<64xf32, #tpu.memory_space<vmem>>
      %parallel_loop3A_66 = tpu.vector_load_idx %parallel_loop3A_65[%parallel_loop3A_19] : memref<64xf32, #tpu.memory_space<vmem>>[vector<16xi32>], vector<16xf32>,
      %parallel_loop3A_67 = arith.mulf %parallel_loop3A_56, %parallel_loop3A_61 : vector<16xf32>
      %parallel_loop3A_68 = arith.addf %parallel_loop3A_67, %parallel_loop3A_66 : vector<16xf32>
      %parallel_loop3A_69 = arith.mulf %parallel_loop3A_56, %parallel_loop3A_68 : vector<16xf32>
      %parallel_loop3A_70 = arith.constant 2 : i32
      %parallel_loop3A_71 = arith.index_cast %parallel_loop3A_70 : i32 to index
      %parallel_loop3A_72 = arith.index_cast %parallel_loop3A_17 : i32 to index
      %parallel_loop3A_73 = tpu.vector_load %arg8[%parallel_loop3A_71, %parallel_loop3A_72] {strides = array<i32>} : memref<17x1024xf32, #tpu.memory_space<vmem>>, vector<16xf32>,
      %parallel_loop3A_74 = arith.constant 2 : i32
      %parallel_loop3A_75 = arith.constant 0 : i32
      %parallel_loop3A_76 = tpu.memref_slice %arg10[%parallel_loop3A_74, %parallel_loop3A_75] : memref<16x64xf32, #tpu.memory_space<vmem>> -> memref<1x64xf32, #tpu.memory_space<vmem>>
      %parallel_loop3A_77 = tpu.memref_squeeze %parallel_loop3A_76 : memref<1x64xf32, #tpu.memory_space<vmem>> -> memref<64xf32, #tpu.memory_space<vmem>>
      %parallel_loop3A_78 = tpu.vector_load_idx %parallel_loop3A_77[%parallel_loop3A_19] : memref<64xf32, #tpu.memory_space<vmem>>[vector<16xi32>], vector<16xf32>,
      %parallel_loop3A_79 = arith.constant 2 : i32
      %parallel_loop3A_80 = arith.constant 0 : i32
      %parallel_loop3A_81 = tpu.memref_slice %arg11[%parallel_loop3A_79, %parallel_loop3A_80] : memref<16x64xf32, #tpu.memory_space<vmem>> -> memref<1x64xf32, #tpu.memory_space<vmem>>
      %parallel_loop3A_82 = tpu.memref_squeeze %parallel_loop3A_81 : memref<1x64xf32, #tpu.memory_space<vmem>> -> memref<64xf32, #tpu.memory_space<vmem>>
      %parallel_loop3A_83 = tpu.vector_load_idx %parallel_loop3A_82[%parallel_loop3A_19] : memref<64xf32, #tpu.memory_space<vmem>>[vector<16xi32>], vector<16xf32>,
      %parallel_loop3A_84 = arith.mulf %parallel_loop3A_73, %parallel_loop3A_78 : vector<16xf32>
      %parallel_loop3A_85 = arith.addf %parallel_loop3A_84, %parallel_loop3A_83 : vector<16xf32>
      %parallel_loop3A_86 = arith.mulf %parallel_loop3A_73, %parallel_loop3A_85 : vector<16xf32>
      %parallel_loop3A_87 = arith.constant 3 : i32
      %parallel_loop3A_88 = arith.index_cast %parallel_loop3A_87 : i32 to index
      %parallel_loop3A_89 = arith.index_cast %parallel_loop3A_17 : i32 to index
      %parallel_loop3A_90 = tpu.vector_load %arg8[%parallel_loop3A_88, %parallel_loop3A_89] {strides = array<i32>} : memref<17x1024xf32, #tpu.memory_space<vmem>>, vector<16xf32>,
      %parallel_loop3A_91 = arith.constant 3 : i32
      %parallel_loop3A_92 = arith.constant 0 : i32
      %parallel_loop3A_93 = tpu.memref_slice %arg10[%parallel_loop3A_91, %parallel_loop3A_92] : memref<16x64xf32, #tpu.memory_space<vmem>> -> memref<1x64xf32, #tpu.memory_space<vmem>>
      %parallel_loop3A_94 = tpu.memref_squeeze %parallel_loop3A_93 : memref<1x64xf32, #tpu.memory_space<vmem>> -> memref<64xf32, #tpu.memory_space<vmem>>
      %parallel_loop3A_95 = tpu.vector_load_idx %parallel_loop3A_94[%parallel_loop3A_19] : memref<64xf32, #tpu.memory_space<vmem>>[vector<16xi32>], vector<16xf32>,
      %parallel_loop3A_96 = arith.constant 3 : i32
      %parallel_loop3A_97 = arith.constant 0 : i32
      %parallel_loop3A_98 = tpu.memref_slice %arg11[%parallel_loop3A_96, %parallel_loop3A_97] : memref<16x64xf32, #tpu.memory_space<vmem>> -> memref<1x64xf32, #tpu.memory_space<vmem>>
      %parallel_loop3A_99 = tpu.memref_squeeze %parallel_loop3A_98 : memref<1x64xf32, #tpu.memory_space<vmem>> -> memref<64xf32, #tpu.memory_space<vmem>>
      %parallel_loop3A_100 = tpu.vector_load_idx %parallel_loop3A_99[%parallel_loop3A_19] : memref<64xf32, #tpu.memory_space<vmem>>[vector<16xi32>], vector<16xf32>,
      %parallel_loop3A_101 = arith.mulf %parallel_loop3A_90, %parallel_loop3A_95 : vector<16xf32>
      %parallel_loop3A_102 = arith.addf %parallel_loop3A_101, %parallel_loop3A_100 : vector<16xf32>
      %parallel_loop3A_103 = arith.mulf %parallel_loop3A_90, %parallel_loop3A_102 : vector<16xf32>
      %parallel_loop3A_104 = arith.constant 4 : i32
      %parallel_loop3A_105 = arith.index_cast %parallel_loop3A_104 : i32 to index
      %parallel_loop3A_106 = arith.index_cast %parallel_loop3A_17 : i32 to index
      %parallel_loop3A_107 = tpu.vector_load %arg8[%parallel_loop3A_105, %parallel_loop3A_106] {strides = array<i32>} : memref<17x1024xf32, #tpu.memory_space<vmem>>, vector<16xf32>,
      %parallel_loop3A_108 = arith.constant 4 : i32
      %parallel_loop3A_109 = arith.constant 0 : i32
      %parallel_loop3A_110 = tpu.memref_slice %arg10[%parallel_loop3A_108, %parallel_loop3A_109] : memref<16x64xf32, #tpu.memory_space<vmem>> -> memref<1x64xf32, #tpu.memory_space<vmem>>
      %parallel_loop3A_111 = tpu.memref_squeeze %parallel_loop3A_110 : memref<1x64xf32, #tpu.memory_space<vmem>> -> memref<64xf32, #tpu.memory_space<vmem>>
      %parallel_loop3A_112 = tpu.vector_load_idx %parallel_loop3A_111[%parallel_loop3A_19] : memref<64xf32, #tpu.memory_space<vmem>>[vector<16xi32>], vector<16xf32>,
      %parallel_loop3A_113 = arith.constant 4 : i32
      %parallel_loop3A_114 = arith.constant 0 : i32
      %parallel_loop3A_115 = tpu.memref_slice %arg11[%parallel_loop3A_113, %parallel_loop3A_114] : memref<16x64xf32, #tpu.memory_space<vmem>> -> memref<1x64xf32, #tpu.memory_space<vmem>>
      %parallel_loop3A_116 = tpu.memref_squeeze %parallel_loop3A_115 : memref<1x64xf32, #tpu.memory_space<vmem>> -> memref<64xf32, #tpu.memory_space<vmem>>
      %parallel_loop3A_117 = tpu.vector_load_idx %parallel_loop3A_116[%parallel_loop3A_19] : memref<64xf32, #tpu.memory_space<vmem>>[vector<16xi32>], vector<16xf32>,
      %parallel_loop3A_118 = arith.mulf %parallel_loop3A_107, %parallel_loop3A_112 : vector<16xf32>
      %parallel_loop3A_119 = arith.addf %parallel_loop3A_118, %parallel_loop3A_117 : vector<16xf32>
      %parallel_loop3A_120 = arith.mulf %parallel_loop3A_107, %parallel_loop3A_119 : vector<16xf32>
      %parallel_loop3A_121 = arith.addf %parallel_loop3A_52, %parallel_loop3A_120 : vector<16xf32>
      %parallel_loop3A_122 = arith.constant 5 : i32
      %parallel_loop3A_123 = arith.index_cast %parallel_loop3A_122 : i32 to index
      %parallel_loop3A_124 = arith.index_cast %parallel_loop3A_17 : i32 to index
      %parallel_loop3A_125 = tpu.vector_load %arg8[%parallel_loop3A_123, %parallel_loop3A_124] {strides = array<i32>} : memref<17x1024xf32, #tpu.memory_space<vmem>>, vector<16xf32>,
      %parallel_loop3A_126 = arith.constant 5 : i32
      %parallel_loop3A_127 = arith.constant 0 : i32
      %parallel_loop3A_128 = tpu.memref_slice %arg10[%parallel_loop3A_126, %parallel_loop3A_127] : memref<16x64xf32, #tpu.memory_space<vmem>> -> memref<1x64xf32, #tpu.memory_space<vmem>>
      %parallel_loop3A_129 = tpu.memref_squeeze %parallel_loop3A_128 : memref<1x64xf32, #tpu.memory_space<vmem>> -> memref<64xf32, #tpu.memory_space<vmem>>
      %parallel_loop3A_130 = tpu.vector_load_idx %parallel_loop3A_129[%parallel_loop3A_19] : memref<64xf32, #tpu.memory_space<vmem>>[vector<16xi32>], vector<16xf32>,
      %parallel_loop3A_131 = arith.constant 5 : i32
      %parallel_loop3A_132 = arith.constant 0 : i32
      %parallel_loop3A_133 = tpu.memref_slice %arg11[%parallel_loop3A_131, %parallel_loop3A_132] : memref<16x64xf32, #tpu.memory_space<vmem>> -> memref<1x64xf32, #tpu.memory_space<vmem>>
      %parallel_loop3A_134 = tpu.memref_squeeze %parallel_loop3A_133 : memref<1x64xf32, #tpu.memory_space<vmem>> -> memref<64xf32, #tpu.memory_space<vmem>>
      %parallel_loop3A_135 = tpu.vector_load_idx %parallel_loop3A_134[%parallel_loop3A_19] : memref<64xf32, #tpu.memory_space<vmem>>[vector<16xi32>], vector<16xf32>,
      %parallel_loop3A_136 = arith.mulf %parallel_loop3A_125, %parallel_loop3A_130 : vector<16xf32>
      %parallel_loop3A_137 = arith.addf %parallel_loop3A_136, %parallel_loop3A_135 : vector<16xf32>
      %parallel_loop3A_138 = arith.mulf %parallel_loop3A_125, %parallel_loop3A_137 : vector<16xf32>
      %parallel_loop3A_139 = arith.addf %parallel_loop3A_69, %parallel_loop3A_138 : vector<16xf32>
      %parallel_loop3A_140 = arith.constant 6 : i32
      %parallel_loop3A_141 = arith.index_cast %parallel_loop3A_140 : i32 to index
      %parallel_loop3A_142 = arith.index_cast %parallel_loop3A_17 : i32 to index
      %parallel_loop3A_143 = tpu.vector_load %arg8[%parallel_loop3A_141, %parallel_loop3A_142] {strides = array<i32>} : memref<17x1024xf32, #tpu.memory_space<vmem>>, vector<16xf32>,
      %parallel_loop3A_144 = arith.constant 6 : i32
      %parallel_loop3A_145 = arith.constant 0 : i32
      %parallel_loop3A_146 = tpu.memref_slice %arg10[%parallel_loop3A_144, %parallel_loop3A_145] : memref<16x64xf32, #tpu.memory_space<vmem>> -> memref<1x64xf32, #tpu.memory_space<vmem>>
      %parallel_loop3A_147 = tpu.memref_squeeze %parallel_loop3A_146 : memref<1x64xf32, #tpu.memory_space<vmem>> -> memref<64xf32, #tpu.memory_space<vmem>>
      %parallel_loop3A_148 = tpu.vector_load_idx %parallel_loop3A_147[%parallel_loop3A_19] : memref<64xf32, #tpu.memory_space<vmem>>[vector<16xi32>], vector<16xf32>,
      %parallel_loop3A_149 = arith.constant 6 : i32
      %parallel_loop3A_150 = arith.constant 0 : i32
      %parallel_loop3A_151 = tpu.memref_slice %arg11[%parallel_loop3A_149, %parallel_loop3A_150] : memref<16x64xf32, #tpu.memory_space<vmem>> -> memref<1x64xf32, #tpu.memory_space<vmem>>
      %parallel_loop3A_152 = tpu.memref_squeeze %parallel_loop3A_151 : memref<1x64xf32, #tpu.memory_space<vmem>> -> memref<64xf32, #tpu.memory_space<vmem>>
      %parallel_loop3A_153 = tpu.vector_load_idx %parallel_loop3A_152[%parallel_loop3A_19] : memref<64xf32, #tpu.memory_space<vmem>>[vector<16xi32>], vector<16xf32>,
      %parallel_loop3A_154 = arith.mulf %parallel_loop3A_143, %parallel_loop3A_148 : vector<16xf32>
      %parallel_loop3A_155 = arith.addf %parallel_loop3A_154, %parallel_loop3A_153 : vector<16xf32>
      %parallel_loop3A_156 = arith.mulf %parallel_loop3A_143, %parallel_loop3A_155 : vector<16xf32>
      %parallel_loop3A_157 = arith.addf %parallel_loop3A_86, %parallel_loop3A_156 : vector<16xf32>
      %parallel_loop3A_158 = arith.constant 7 : i32
      %parallel_loop3A_159 = arith.index_cast %parallel_loop3A_158 : i32 to index
      %parallel_loop3A_160 = arith.index_cast %parallel_loop3A_17 : i32 to index
      %parallel_loop3A_161 = tpu.vector_load %arg8[%parallel_loop3A_159, %parallel_loop3A_160] {strides = array<i32>} : memref<17x1024xf32, #tpu.memory_space<vmem>>, vector<16xf32>,
      %parallel_loop3A_162 = arith.constant 7 : i32
      %parallel_loop3A_163 = arith.constant 0 : i32
      %parallel_loop3A_164 = tpu.memref_slice %arg10[%parallel_loop3A_162, %parallel_loop3A_163] : memref<16x64xf32, #tpu.memory_space<vmem>> -> memref<1x64xf32, #tpu.memory_space<vmem>>
      %parallel_loop3A_165 = tpu.memref_squeeze %parallel_loop3A_164 : memref<1x64xf32, #tpu.memory_space<vmem>> -> memref<64xf32, #tpu.memory_space<vmem>>
      %parallel_loop3A_166 = tpu.vector_load_idx %parallel_loop3A_165[%parallel_loop3A_19] : memref<64xf32, #tpu.memory_space<vmem>>[vector<16xi32>], vector<16xf32>,
      %parallel_loop3A_167 = arith.constant 7 : i32
      %parallel_loop3A_168 = arith.constant 0 : i32
      %parallel_loop3A_169 = tpu.memref_slice %arg11[%parallel_loop3A_167, %parallel_loop3A_168] : memref<16x64xf32, #tpu.memory_space<vmem>> -> memref<1x64xf32, #tpu.memory_space<vmem>>
      %parallel_loop3A_170 = tpu.memref_squeeze %parallel_loop3A_169 : memref<1x64xf32, #tpu.memory_space<vmem>> -> memref<64xf32, #tpu.memory_space<vmem>>
      %parallel_loop3A_171 = tpu.vector_load_idx %parallel_loop3A_170[%parallel_loop3A_19] : memref<64xf32, #tpu.memory_space<vmem>>[vector<16xi32>], vector<16xf32>,
      %parallel_loop3A_172 = arith.mulf %parallel_loop3A_161, %parallel_loop3A_166 : vector<16xf32>
      %parallel_loop3A_173 = arith.addf %parallel_loop3A_172, %parallel_loop3A_171 : vector<16xf32>
      %parallel_loop3A_174 = arith.mulf %parallel_loop3A_161, %parallel_loop3A_173 : vector<16xf32>
      %parallel_loop3A_175 = arith.addf %parallel_loop3A_103, %parallel_loop3A_174 : vector<16xf32>
      %parallel_loop3A_176 = arith.constant 8 : i32
      %parallel_loop3A_177 = arith.index_cast %parallel_loop3A_176 : i32 to index
      %parallel_loop3A_178 = arith.index_cast %parallel_loop3A_17 : i32 to index
      %parallel_loop3A_179 = tpu.vector_load %arg8[%parallel_loop3A_177, %parallel_loop3A_178] {strides = array<i32>} : memref<17x1024xf32, #tpu.memory_space<vmem>>, vector<16xf32>,
      %parallel_loop3A_180 = arith.constant 8 : i32
      %parallel_loop3A_181 = arith.constant 0 : i32
      %parallel_loop3A_182 = tpu.memref_slice %arg10[%parallel_loop3A_180, %parallel_loop3A_181] : memref<16x64xf32, #tpu.memory_space<vmem>> -> memref<1x64xf32, #tpu.memory_space<vmem>>
      %parallel_loop3A_183 = tpu.memref_squeeze %parallel_loop3A_182 : memref<1x64xf32, #tpu.memory_space<vmem>> -> memref<64xf32, #tpu.memory_space<vmem>>
      %parallel_loop3A_184 = tpu.vector_load_idx %parallel_loop3A_183[%parallel_loop3A_19] : memref<64xf32, #tpu.memory_space<vmem>>[vector<16xi32>], vector<16xf32>,
      %parallel_loop3A_185 = arith.constant 8 : i32
      %parallel_loop3A_186 = arith.constant 0 : i32
      %parallel_loop3A_187 = tpu.memref_slice %arg11[%parallel_loop3A_185, %parallel_loop3A_186] : memref<16x64xf32, #tpu.memory_space<vmem>> -> memref<1x64xf32, #tpu.memory_space<vmem>>
      %parallel_loop3A_188 = tpu.memref_squeeze %parallel_loop3A_187 : memref<1x64xf32, #tpu.memory_space<vmem>> -> memref<64xf32, #tpu.memory_space<vmem>>
      %parallel_loop3A_189 = tpu.vector_load_idx %parallel_loop3A_188[%parallel_loop3A_19] : memref<64xf32, #tpu.memory_space<vmem>>[vector<16xi32>], vector<16xf32>,
      %parallel_loop3A_190 = arith.mulf %parallel_loop3A_179, %parallel_loop3A_184 : vector<16xf32>
      %parallel_loop3A_191 = arith.addf %parallel_loop3A_190, %parallel_loop3A_189 : vector<16xf32>
      %parallel_loop3A_192 = arith.mulf %parallel_loop3A_179, %parallel_loop3A_191 : vector<16xf32>
      %parallel_loop3A_193 = arith.addf %parallel_loop3A_121, %parallel_loop3A_192 : vector<16xf32>
      %parallel_loop3A_194 = arith.constant 9 : i32
      %parallel_loop3A_195 = arith.index_cast %parallel_loop3A_194 : i32 to index
      %parallel_loop3A_196 = arith.index_cast %parallel_loop3A_17 : i32 to index
      %parallel_loop3A_197 = tpu.vector_load %arg8[%parallel_loop3A_195, %parallel_loop3A_196] {strides = array<i32>} : memref<17x1024xf32, #tpu.memory_space<vmem>>, vector<16xf32>,
      %parallel_loop3A_198 = arith.constant 9 : i32
      %parallel_loop3A_199 = arith.constant 0 : i32
      %parallel_loop3A_200 = tpu.memref_slice %arg10[%parallel_loop3A_198, %parallel_loop3A_199] : memref<16x64xf32, #tpu.memory_space<vmem>> -> memref<1x64xf32, #tpu.memory_space<vmem>>
      %parallel_loop3A_201 = tpu.memref_squeeze %parallel_loop3A_200 : memref<1x64xf32, #tpu.memory_space<vmem>> -> memref<64xf32, #tpu.memory_space<vmem>>
      %parallel_loop3A_202 = tpu.vector_load_idx %parallel_loop3A_201[%parallel_loop3A_19] : memref<64xf32, #tpu.memory_space<vmem>>[vector<16xi32>], vector<16xf32>,
      %parallel_loop3A_203 = arith.constant 9 : i32
      %parallel_loop3A_204 = arith.constant 0 : i32
      %parallel_loop3A_205 = tpu.memref_slice %arg11[%parallel_loop3A_203, %parallel_loop3A_204] : memref<16x64xf32, #tpu.memory_space<vmem>> -> memref<1x64xf32, #tpu.memory_space<vmem>>
      %parallel_loop3A_206 = tpu.memref_squeeze %parallel_loop3A_205 : memref<1x64xf32, #tpu.memory_space<vmem>> -> memref<64xf32, #tpu.memory_space<vmem>>
      %parallel_loop3A_207 = tpu.vector_load_idx %parallel_loop3A_206[%parallel_loop3A_19] : memref<64xf32, #tpu.memory_space<vmem>>[vector<16xi32>], vector<16xf32>,
      %parallel_loop3A_208 = arith.mulf %parallel_loop3A_197, %parallel_loop3A_202 : vector<16xf32>
      %parallel_loop3A_209 = arith.addf %parallel_loop3A_208, %parallel_loop3A_207 : vector<16xf32>
      %parallel_loop3A_210 = arith.mulf %parallel_loop3A_197, %parallel_loop3A_209 : vector<16xf32>
      %parallel_loop3A_211 = arith.addf %parallel_loop3A_139, %parallel_loop3A_210 : vector<16xf32>
      %parallel_loop3A_212 = arith.constant 10 : i32
      %parallel_loop3A_213 = arith.index_cast %parallel_loop3A_212 : i32 to index
      %parallel_loop3A_214 = arith.index_cast %parallel_loop3A_17 : i32 to index
      %parallel_loop3A_215 = tpu.vector_load %arg8[%parallel_loop3A_213, %parallel_loop3A_214] {strides = array<i32>} : memref<17x1024xf32, #tpu.memory_space<vmem>>, vector<16xf32>,
      %parallel_loop3A_216 = arith.constant 10 : i32
      %parallel_loop3A_217 = arith.constant 0 : i32
      %parallel_loop3A_218 = tpu.memref_slice %arg10[%parallel_loop3A_216, %parallel_loop3A_217] : memref<16x64xf32, #tpu.memory_space<vmem>> -> memref<1x64xf32, #tpu.memory_space<vmem>>
      %parallel_loop3A_219 = tpu.memref_squeeze %parallel_loop3A_218 : memref<1x64xf32, #tpu.memory_space<vmem>> -> memref<64xf32, #tpu.memory_space<vmem>>
      %parallel_loop3A_220 = tpu.vector_load_idx %parallel_loop3A_219[%parallel_loop3A_19] : memref<64xf32, #tpu.memory_space<vmem>>[vector<16xi32>], vector<16xf32>,
      %parallel_loop3A_221 = arith.constant 10 : i32
      %parallel_loop3A_222 = arith.constant 0 : i32
      %parallel_loop3A_223 = tpu.memref_slice %arg11[%parallel_loop3A_221, %parallel_loop3A_222] : memref<16x64xf32, #tpu.memory_space<vmem>> -> memref<1x64xf32, #tpu.memory_space<vmem>>
      %parallel_loop3A_224 = tpu.memref_squeeze %parallel_loop3A_223 : memref<1x64xf32, #tpu.memory_space<vmem>> -> memref<64xf32, #tpu.memory_space<vmem>>
      %parallel_loop3A_225 = tpu.vector_load_idx %parallel_loop3A_224[%parallel_loop3A_19] : memref<64xf32, #tpu.memory_space<vmem>>[vector<16xi32>], vector<16xf32>,
      %parallel_loop3A_226 = arith.mulf %parallel_loop3A_215, %parallel_loop3A_220 : vector<16xf32>
      %parallel_loop3A_227 = arith.addf %parallel_loop3A_226, %parallel_loop3A_225 : vector<16xf32>
      %parallel_loop3A_228 = arith.mulf %parallel_loop3A_215, %parallel_loop3A_227 : vector<16xf32>
      %parallel_loop3A_229 = arith.addf %parallel_loop3A_157, %parallel_loop3A_228 : vector<16xf32>
      %parallel_loop3A_230 = arith.constant 11 : i32
      %parallel_loop3A_231 = arith.index_cast %parallel_loop3A_230 : i32 to index
      %parallel_loop3A_232 = arith.index_cast %parallel_loop3A_17 : i32 to index
      %parallel_loop3A_233 = tpu.vector_load %arg8[%parallel_loop3A_231, %parallel_loop3A_232] {strides = array<i32>} : memref<17x1024xf32, #tpu.memory_space<vmem>>, vector<16xf32>,
      %parallel_loop3A_234 = arith.constant 11 : i32
      %parallel_loop3A_235 = arith.constant 0 : i32
      %parallel_loop3A_236 = tpu.memref_slice %arg10[%parallel_loop3A_234, %parallel_loop3A_235] : memref<16x64xf32, #tpu.memory_space<vmem>> -> memref<1x64xf32, #tpu.memory_space<vmem>>
      %parallel_loop3A_237 = tpu.memref_squeeze %parallel_loop3A_236 : memref<1x64xf32, #tpu.memory_space<vmem>> -> memref<64xf32, #tpu.memory_space<vmem>>
      %parallel_loop3A_238 = tpu.vector_load_idx %parallel_loop3A_237[%parallel_loop3A_19] : memref<64xf32, #tpu.memory_space<vmem>>[vector<16xi32>], vector<16xf32>,
      %parallel_loop3A_239 = arith.constant 11 : i32
      %parallel_loop3A_240 = arith.constant 0 : i32
      %parallel_loop3A_241 = tpu.memref_slice %arg11[%parallel_loop3A_239, %parallel_loop3A_240] : memref<16x64xf32, #tpu.memory_space<vmem>> -> memref<1x64xf32, #tpu.memory_space<vmem>>
      %parallel_loop3A_242 = tpu.memref_squeeze %parallel_loop3A_241 : memref<1x64xf32, #tpu.memory_space<vmem>> -> memref<64xf32, #tpu.memory_space<vmem>>
      %parallel_loop3A_243 = tpu.vector_load_idx %parallel_loop3A_242[%parallel_loop3A_19] : memref<64xf32, #tpu.memory_space<vmem>>[vector<16xi32>], vector<16xf32>,
      %parallel_loop3A_244 = arith.mulf %parallel_loop3A_233, %parallel_loop3A_238 : vector<16xf32>
      %parallel_loop3A_245 = arith.addf %parallel_loop3A_244, %parallel_loop3A_243 : vector<16xf32>
      %parallel_loop3A_246 = arith.mulf %parallel_loop3A_233, %parallel_loop3A_245 : vector<16xf32>
      %parallel_loop3A_247 = arith.addf %parallel_loop3A_175, %parallel_loop3A_246 : vector<16xf32>
      %parallel_loop3A_248 = arith.constant 12 : i32
      %parallel_loop3A_249 = arith.index_cast %parallel_loop3A_248 : i32 to index
      %parallel_loop3A_250 = arith.index_cast %parallel_loop3A_17 : i32 to index
      %parallel_loop3A_251 = tpu.vector_load %arg8[%parallel_loop3A_249, %parallel_loop3A_250] {strides = array<i32>} : memref<17x1024xf32, #tpu.memory_space<vmem>>, vector<16xf32>,
      %parallel_loop3A_252 = arith.constant 12 : i32
      %parallel_loop3A_253 = arith.constant 0 : i32
      %parallel_loop3A_254 = tpu.memref_slice %arg10[%parallel_loop3A_252, %parallel_loop3A_253] : memref<16x64xf32, #tpu.memory_space<vmem>> -> memref<1x64xf32, #tpu.memory_space<vmem>>
      %parallel_loop3A_255 = tpu.memref_squeeze %parallel_loop3A_254 : memref<1x64xf32, #tpu.memory_space<vmem>> -> memref<64xf32, #tpu.memory_space<vmem>>
      %parallel_loop3A_256 = tpu.vector_load_idx %parallel_loop3A_255[%parallel_loop3A_19] : memref<64xf32, #tpu.memory_space<vmem>>[vector<16xi32>], vector<16xf32>,
      %parallel_loop3A_257 = arith.constant 12 : i32
      %parallel_loop3A_258 = arith.constant 0 : i32
      %parallel_loop3A_259 = tpu.memref_slice %arg11[%parallel_loop3A_257, %parallel_loop3A_258] : memref<16x64xf32, #tpu.memory_space<vmem>> -> memref<1x64xf32, #tpu.memory_space<vmem>>
      %parallel_loop3A_260 = tpu.memref_squeeze %parallel_loop3A_259 : memref<1x64xf32, #tpu.memory_space<vmem>> -> memref<64xf32, #tpu.memory_space<vmem>>
      %parallel_loop3A_261 = tpu.vector_load_idx %parallel_loop3A_260[%parallel_loop3A_19] : memref<64xf32, #tpu.memory_space<vmem>>[vector<16xi32>], vector<16xf32>,
      %parallel_loop3A_262 = arith.mulf %parallel_loop3A_251, %parallel_loop3A_256 : vector<16xf32>
      %parallel_loop3A_263 = arith.addf %parallel_loop3A_262, %parallel_loop3A_261 : vector<16xf32>
      %parallel_loop3A_264 = arith.mulf %parallel_loop3A_251, %parallel_loop3A_263 : vector<16xf32>
      %parallel_loop3A_265 = arith.addf %parallel_loop3A_193, %parallel_loop3A_264 : vector<16xf32>
      %parallel_loop3A_266 = arith.constant 13 : i32
      %parallel_loop3A_267 = arith.index_cast %parallel_loop3A_266 : i32 to index
      %parallel_loop3A_268 = arith.index_cast %parallel_loop3A_17 : i32 to index
      %parallel_loop3A_269 = tpu.vector_load %arg8[%parallel_loop3A_267, %parallel_loop3A_268] {strides = array<i32>} : memref<17x1024xf32, #tpu.memory_space<vmem>>, vector<16xf32>,
      %parallel_loop3A_270 = arith.constant 13 : i32
      %parallel_loop3A_271 = arith.constant 0 : i32
      %parallel_loop3A_272 = tpu.memref_slice %arg10[%parallel_loop3A_270, %parallel_loop3A_271] : memref<16x64xf32, #tpu.memory_space<vmem>> -> memref<1x64xf32, #tpu.memory_space<vmem>>
      %parallel_loop3A_273 = tpu.memref_squeeze %parallel_loop3A_272 : memref<1x64xf32, #tpu.memory_space<vmem>> -> memref<64xf32, #tpu.memory_space<vmem>>
      %parallel_loop3A_274 = tpu.vector_load_idx %parallel_loop3A_273[%parallel_loop3A_19] : memref<64xf32, #tpu.memory_space<vmem>>[vector<16xi32>], vector<16xf32>,
      %parallel_loop3A_275 = arith.constant 13 : i32
      %parallel_loop3A_276 = arith.constant 0 : i32
      %parallel_loop3A_277 = tpu.memref_slice %arg11[%parallel_loop3A_275, %parallel_loop3A_276] : memref<16x64xf32, #tpu.memory_space<vmem>> -> memref<1x64xf32, #tpu.memory_space<vmem>>
      %parallel_loop3A_278 = tpu.memref_squeeze %parallel_loop3A_277 : memref<1x64xf32, #tpu.memory_space<vmem>> -> memref<64xf32, #tpu.memory_space<vmem>>
      %parallel_loop3A_279 = tpu.vector_load_idx %parallel_loop3A_278[%parallel_loop3A_19] : memref<64xf32, #tpu.memory_space<vmem>>[vector<16xi32>], vector<16xf32>,
      %parallel_loop3A_280 = arith.mulf %parallel_loop3A_269, %parallel_loop3A_274 : vector<16xf32>
      %parallel_loop3A_281 = arith.addf %parallel_loop3A_280, %parallel_loop3A_279 : vector<16xf32>
      %parallel_loop3A_282 = arith.mulf %parallel_loop3A_269, %parallel_loop3A_281 : vector<16xf32>
      %parallel_loop3A_283 = arith.addf %parallel_loop3A_211, %parallel_loop3A_282 : vector<16xf32>
      %parallel_loop3A_284 = arith.constant 14 : i32
      %parallel_loop3A_285 = arith.index_cast %parallel_loop3A_284 : i32 to index
      %parallel_loop3A_286 = arith.index_cast %parallel_loop3A_17 : i32 to index
      %parallel_loop3A_287 = tpu.vector_load %arg8[%parallel_loop3A_285, %parallel_loop3A_286] {strides = array<i32>} : memref<17x1024xf32, #tpu.memory_space<vmem>>, vector<16xf32>,
      %parallel_loop3A_288 = arith.constant 14 : i32
      %parallel_loop3A_289 = arith.constant 0 : i32
      %parallel_loop3A_290 = tpu.memref_slice %arg10[%parallel_loop3A_288, %parallel_loop3A_289] : memref<16x64xf32, #tpu.memory_space<vmem>> -> memref<1x64xf32, #tpu.memory_space<vmem>>
      %parallel_loop3A_291 = tpu.memref_squeeze %parallel_loop3A_290 : memref<1x64xf32, #tpu.memory_space<vmem>> -> memref<64xf32, #tpu.memory_space<vmem>>
      %parallel_loop3A_292 = tpu.vector_load_idx %parallel_loop3A_291[%parallel_loop3A_19] : memref<64xf32, #tpu.memory_space<vmem>>[vector<16xi32>], vector<16xf32>,
      %parallel_loop3A_293 = arith.constant 14 : i32
      %parallel_loop3A_294 = arith.constant 0 : i32
      %parallel_loop3A_295 = tpu.memref_slice %arg11[%parallel_loop3A_293, %parallel_loop3A_294] : memref<16x64xf32, #tpu.memory_space<vmem>> -> memref<1x64xf32, #tpu.memory_space<vmem>>
      %parallel_loop3A_296 = tpu.memref_squeeze %parallel_loop3A_295 : memref<1x64xf32, #tpu.memory_space<vmem>> -> memref<64xf32, #tpu.memory_space<vmem>>
      %parallel_loop3A_297 = tpu.vector_load_idx %parallel_loop3A_296[%parallel_loop3A_19] : memref<64xf32, #tpu.memory_space<vmem>>[vector<16xi32>], vector<16xf32>,
      %parallel_loop3A_298 = arith.mulf %parallel_loop3A_287, %parallel_loop3A_292 : vector<16xf32>
      %parallel_loop3A_299 = arith.addf %parallel_loop3A_298, %parallel_loop3A_297 : vector<16xf32>
      %parallel_loop3A_300 = arith.mulf %parallel_loop3A_287, %parallel_loop3A_299 : vector<16xf32>
      %parallel_loop3A_301 = arith.addf %parallel_loop3A_229, %parallel_loop3A_300 : vector<16xf32>
      %parallel_loop3A_302 = arith.constant 15 : i32
      %parallel_loop3A_303 = arith.index_cast %parallel_loop3A_302 : i32 to index
      %parallel_loop3A_304 = arith.index_cast %parallel_loop3A_17 : i32 to index
      %parallel_loop3A_305 = tpu.vector_load %arg8[%parallel_loop3A_303, %parallel_loop3A_304] {strides = array<i32>} : memref<17x1024xf32, #tpu.memory_space<vmem>>, vector<16xf32>,
      %parallel_loop3A_306 = arith.constant 15 : i32
      %parallel_loop3A_307 = arith.constant 0 : i32
      %parallel_loop3A_308 = tpu.memref_slice %arg10[%parallel_loop3A_306, %parallel_loop3A_307] : memref<16x64xf32, #tpu.memory_space<vmem>> -> memref<1x64xf32, #tpu.memory_space<vmem>>
      %parallel_loop3A_309 = tpu.memref_squeeze %parallel_loop3A_308 : memref<1x64xf32, #tpu.memory_space<vmem>> -> memref<64xf32, #tpu.memory_space<vmem>>
      %parallel_loop3A_310 = tpu.vector_load_idx %parallel_loop3A_309[%parallel_loop3A_19] : memref<64xf32, #tpu.memory_space<vmem>>[vector<16xi32>], vector<16xf32>,
      %parallel_loop3A_311 = arith.constant 15 : i32
      %parallel_loop3A_312 = arith.constant 0 : i32
      %parallel_loop3A_313 = tpu.memref_slice %arg11[%parallel_loop3A_311, %parallel_loop3A_312] : memref<16x64xf32, #tpu.memory_space<vmem>> -> memref<1x64xf32, #tpu.memory_space<vmem>>
      %parallel_loop3A_314 = tpu.memref_squeeze %parallel_loop3A_313 : memref<1x64xf32, #tpu.memory_space<vmem>> -> memref<64xf32, #tpu.memory_space<vmem>>
      %parallel_loop3A_315 = tpu.vector_load_idx %parallel_loop3A_314[%parallel_loop3A_19] : memref<64xf32, #tpu.memory_space<vmem>>[vector<16xi32>], vector<16xf32>,
      %parallel_loop3A_316 = arith.mulf %parallel_loop3A_305, %parallel_loop3A_310 : vector<16xf32>
      %parallel_loop3A_317 = arith.addf %parallel_loop3A_316, %parallel_loop3A_315 : vector<16xf32>
      %parallel_loop3A_318 = arith.mulf %parallel_loop3A_305, %parallel_loop3A_317 : vector<16xf32>
      %parallel_loop3A_319 = arith.addf %parallel_loop3A_247, %parallel_loop3A_318 : vector<16xf32>
      %parallel_loop3A_320 = arith.addf %parallel_loop3A_265, %parallel_loop3A_283 : vector<16xf32>
      %parallel_loop3A_321 = arith.addf %parallel_loop3A_301, %parallel_loop3A_319 : vector<16xf32>
      %parallel_loop3A_322 = arith.addf %parallel_loop3A_320, %parallel_loop3A_321 : vector<16xf32>
      %parallel_loop3A_323 = arith.addf %parallel_loop3A_322, %parallel_loop3A_35 : vector<16xf32>
      %parallel_loop3A_324 = math.exp %parallel_loop3A_323 : vector<16xf32>
      %parallel_loop3A_325 = arith.index_cast %parallel_loop3A_17 : i32 to index
      %parallel_loop3A_326 = tpu.vector_load %arg13[%parallel_loop3A_325] {strides = array<i32>} : memref<1024xf32, #tpu.memory_space<vmem>>, vector<16xf32>,
      tpu.vector_store %arg13[%parallel_loop3A_325], %parallel_loop3A_324 {strides = array<i32>} : memref<1024xf32, #tpu.memory_space<vmem>>, vector<16xf32>,
    } {sc.loop_unroll_factor = 1 : i64, sc.parallel_access}
    "tpu.region"() ({
      %run_scoped3A = tpu.sem_alloc : memref<!tpu.dma_semaphore, #tpu.memory_space<semaphore_mem>>
      %dma_start3A_15 = tpu.memref_slice %arg7[%mul3A_2] : memref<32768xf32, #tpu.memory_space<hbm>> -> memref<1024xf32, #tpu.memory_space<hbm>>
      %dma_start3A_16 = tpu.memref_slice %arg7[%mul3A_2] : memref<32768xf32, #tpu.memory_space<hbm>> -> memref<1024xf32, #tpu.memory_space<hbm>>
      tpu.enqueue_dma source(%arg13 : memref<1024xf32, #tpu.memory_space<vmem>>) target(%dma_start3A_16 : memref<1024xf32, #tpu.memory_space<hbm>>) target_semaphore(%run_scoped3A : memref<!tpu.dma_semaphore, #tpu.memory_space<semaphore_mem>>)
      %dma_wait3A_17 = tpu.memref_slice %arg7[%mul3A_2] : memref<32768xf32, #tpu.memory_space<hbm>> -> memref<1024xf32, #tpu.memory_space<hbm>>
      %dma_wait3A_18 = tpu.memref_slice %arg7[%mul3A_2] : memref<32768xf32, #tpu.memory_space<hbm>> -> memref<1024xf32, #tpu.memory_space<hbm>>
      tpu.wait_dma2 semaphore(%run_scoped3A : memref<!tpu.dma_semaphore, #tpu.memory_space<semaphore_mem>>) src(%arg13 : memref<1024xf32, #tpu.memory_space<vmem>>) dst(%dma_wait3A_18 : memref<1024xf32, #tpu.memory_space<hbm>>)
      tpu.yield
    }) : () -> ()
    return
  }
}

</mosaic_0001>

<sc_bundles>
// kernel: kernel.3.cloned.1.call-start
scs
__scs_entry_jumppad:
0x0: {  	(pc) =	sbr.rel $0x88, $3  }
0x1: {  	(tag) =	ssettag $0x0;
	lr =	simm.s32 $0x1  }
0x2: {  	[smem:$0x3F9C] =	sst lr;
	_ =	strace $0xD0000000  }
0x3: {  	_ = 	snop  }
0x4: {  	_ = 	snop  }
0x5: {  	_ = 	snop  }
0x6: {  	_ = 	snop  }
0x7: {  	_ = 	snop  }
__scs_overlays_trampoline_lowered:
0x8: {  	[smem:$0x3FAB] =	sst s0  }
0x9: {  	[smem:$0x3FAC] =	sst s1  }
0xa: {  	[smem:$0x3FAD] =	sst s2  }
0xb: {  	[smem:$0x3FAE] =	sst s3  }
0xc: {  	[smem:$0x3FAF] =	sst s4  }
0xd: {  	[smem:$0x3FB0] =	sst s5  }
0xe: {  	[smem:$0x3FB1] =	sst s6  }
0xf: {  	[smem:$0x3FB2] =	sst s7  }
0x10: {  	[smem:$0x3FB3] =	sst s8  }
0x11: {  	[smem:$0x3FB4] =	sst s9;
	s0 =	simm.s32 @!p0 $0x0  }
0x12: {  	s1 =	sld [smem:$0x3F9A];
	s0 =	simm.s32 @p0 $0x1  }
0x13: {  	[smem:$0x3FB5] =	sst s0;
	s0 =	simm.s32 @!p1 $0x0  }
0x14: {  	s2 =	sld [smem:$0x3F99];
	s0 =	simm.s32 @p1 $0x1  }
0x15: {  	[smem:$0x3FB6] =	sst s0;
	s0 =	simm.s32 @!p2 $0x0  }
0x16: {  	s3 =	sld [smem:$0x3FDB];
	s0 =	simm.s32 @p2 $0x1  }
0x17: {  	s4 =	simm.s32 $0x1BF5;
	[smem:$0x3FB8] =	sst s0  }
0x18: {  	s0 =	sld [smem:$0x3F9B];
	_ =	swait.ge [sflag:s4], $0x0  }
0x19: {  	s7 =	sld [smem:$0x3F9C]  }
0x1a: {  	s8 =	sadd.s32 $0xFFFFE003, lr  }
0x1b: {  	s9 =	sadd.s32 $0xFFFFFEF7, lr;
	s5 =	simm.s32 $0xFFFFFFFF;
	p2 =	slt.u32 s8, $0xFFFFF086  }
0x1c: {  	p1 =	slt.u32 s9, $0xF7A;
	s5 =	simm.s32 @!p2 $0x0  }
0x1d: {  	s5 =	simm.s32 @p1 $0x1;
	p0 =	seq.s32 s7, s2  }
0x1e: {  	s7 =	smul.u32 @!p0 $0xF7A, s2;
	p2 =	seq.s32 @!p0 s5, $0x0  }
0x1f: {  	s9 =	smul.u32 $0xF7A, s1;
	s8 =	simm.s32 @!p0 $0x1BF5;
	p2 =	por !p2, p0  }
0x20: {  	[sflag:s8] =	ssyncset.s32 @!p0 $0xFFFFF086;
	s6 =	sadd.s32 @!p0 s3, s7;
	s7 =	simm.s32 @!p0 $0x108  }
0x21: {  	s3 =	sadd.s32 s3, s9;
	s6 =	sadd.s32 @!p0 $0x88, s6;
	s7 =	simm.s32 @p2 $0x1082  }
0x22: {  	[simem:s7], [sflag:s8] =	dma.local @!p0 [hbm:s6], $0xF7A  }
0x23: {  	s9 =	sor.u32 $0xD0000000, s2;
	s6 =	simm.s32 $0x108;
	_ =	swait.ge @!p0 [sflag:s8], $0x0  }
0x24: {  	s3 =	sadd.s32 $0x88, s3;
	s6 =	simm.s32 @!p1 $0x1082;
	[sflag:s4] =	ssyncset.s32 $0xFFFFF086  }
0x25: {  	[simem:s6], [sflag:s4] =	dma.local [hbm:s3], $0xF7A  }
0x26: {  	[smem:$0x3F9C] =	sst s1;
	(tag) =	ssettag s2;
	_ =	strace s9  }
0x27: {  	s1 =	sld [smem:$0x3FAC]  }
0x28: {  	s2 =	sld [smem:$0x3FAD]  }
0x29: {  	s4 =	sld [smem:$0x3FAF]  }
0x2a: {  	p0 =	seq.s32 s5, $0x0;
	s5 =	sld [smem:$0x3FB0]  }
0x2b: {  	s6 =	sld [smem:$0x3FB1]  }
0x2c: {  	s7 =	sld [smem:$0x3FB2]  }
0x2d: {  	s3 =	simm.s32 $0x108;
	s8 =	sld [smem:$0x3FB3]  }
0x2e: {  	s3 =	simm.s32 @!p0 $0x1082;
	s9 =	sld [smem:$0x3FB4]  }
0x2f: {  	lr =	sadd.s32 s0, s3;
	s0 =	sld [smem:$0x3FAB]  }
0x30: {  	s3 =	sld [smem:$0x3FAE]  }
0x31: {  	[smem:$0x3FB7] =	sst s10  }
0x32: {  	s10 =	sld [smem:$0x3FB5];
	_ =	sdelay $0x3  }
0x33: {  	p0 =	seq.s32 s10, $0x1;
	s10 =	sld [smem:$0x3FB7];
	_ =	sdelay $0x3  }
0x34: {  	[smem:$0x3FB7] =	sst s10  }
0x35: {  	s10 =	sld [smem:$0x3FB6];
	_ =	sdelay $0x3  }
0x36: {  	p1 =	seq.s32 s10, $0x1;
	s10 =	sld [smem:$0x3FB7];
	_ =	sdelay $0x3  }
0x37: {  	[smem:$0x3FB7] =	sst s10  }
0x38: {  	s10 =	sld [smem:$0x3FB8]  }
0x39: {  	_ = 	snop;
	(pc) =	sbr.ind lr, $3  }
0x3a: {  	_ = 	snop  }
0x3b: {  	_ = 	snop  }
0x3c: {  	p2 =	seq.s32 s10, $0x1;
	s10 =	sld [smem:$0x3FB7]  }
0x3d: {  	_ =	shalt  }
0x3e: {  	_ =	shalt  }
0x3f: {  	_ =	shalt  }
0x40: {  	_ =	shalt  }
0x41: {  	_ =	shalt  }
0x42: {  	_ =	shalt  }
0x43: {  	_ =	shalt  }
0x44: {  	_ =	shalt  }
0x45: {  	_ =	shalt  }
0x46: {  	_ =	shalt  }
0x47: {  	_ =	shalt  }
0x48: {  	_ =	shalt  }
0x49: {  	_ =	shalt  }
0x4a: {  	_ =	shalt  }
0x4b: {  	_ =	shalt  }
0x4c: {  	_ =	shalt  }
0x4d: {  	_ =	shalt  }
0x4e: {  	_ =	shalt  }
0x4f: {  	_ =	shalt  }
0x50: {  	_ =	shalt  }
0x51: {  	_ =	shalt  }
0x52: {  	_ =	shalt  }
0x53: {  	_ =	shalt  }
0x54: {  	_ =	shalt  }
0x55: {  	_ =	shalt  }
0x56: {  	_ =	shalt  }
0x57: {  	_ =	shalt  }
0x58: {  	_ =	shalt  }
0x59: {  	_ =	shalt  }
0x5a: {  	_ =	shalt  }
0x5b: {  	_ =	shalt  }
0x5c: {  	_ =	shalt  }
0x5d: {  	_ =	shalt  }
0x5e: {  	_ =	shalt  }
0x5f: {  	_ =	shalt  }
0x60: {  	_ =	shalt  }
0x61: {  	_ =	shalt  }
0x62: {  	_ =	shalt  }
0x63: {  	_ =	shalt  }
0x64: {  	_ =	shalt  }
0x65: {  	_ =	shalt  }
0x66: {  	_ =	shalt  }
0x67: {  	_ =	shalt  }
0x68: {  	_ =	shalt  }
0x69: {  	_ =	shalt  }
0x6a: {  	_ =	shalt  }
0x6b: {  	_ =	shalt  }
0x6c: {  	_ =	shalt  }
0x6d: {  	_ =	shalt  }
0x6e: {  	_ =	shalt  }
0x6f: {  	_ =	shalt  }
0x70: {  	_ =	shalt  }
0x71: {  	_ =	shalt  }
0x72: {  	_ =	shalt  }
0x73: {  	_ =	shalt  }
0x74: {  	_ =	shalt  }
0x75: {  	_ =	shalt  }
0x76: {  	_ =	shalt  }
0x77: {  	_ =	shalt  }
0x78: {  	_ =	shalt  }
0x79: {  	_ =	shalt  }
0x7a: {  	_ =	shalt  }
0x7b: {  	_ =	shalt  }
0x7c: {  	_ =	shalt  }
0x7d: {  	_ =	shalt  }
0x7e: {  	_ =	shalt  }
0x7f: {  	_ =	shalt  }
0x80: {  	_ =	shalt  }
0x81: {  	_ =	shalt  }
0x82: {  	_ =	shalt  }
0x83: {  	_ =	shalt  }
0x84: {  	_ =	shalt  }
0x85: {  	_ =	shalt  }
0x86: {  	_ =	shalt  }
0x87: {  	_ =	shalt  }
.Lfunc_end0:
.L_simem_size_0:
called_computation_lowered:
.L_overlay_start_0:
0x88: {  	s2 =	sld [smem:$0x3FD9]  }
0x89: {  	s3 =	sld [smem:$0x3FFE];
	_ =	sdelay $0x1  }
0x8a: {  	s1 =	srdreg.scid  }
0x8b: {  	s0 =	sand.u32 $0x1, s1  }
0x8c: {  	s17 =	sshll.u32 s0, $0xA;
	s2 =	sadd.s32 s3, s2  }
0x8d: {  	s2 =	sadd.s32 s2, s17  }
0x8e: {  	[smem:$0x3FC3] =	sst s2  }
0x8f: {  	_ = 	snop  }
0x90: {  	s2 =	sld [smem:$0x3FC9]  }
0x91: {  	s18 =	sld [smem:$0x3FC8]  }
0x92: {  	s4 =	sld [smem:$0x3FD0];
	(tm) =	ssettm $0x1  }
0x93: {  	s5 =	sld [smem:$0x3FFB];
	_ =	sdelay $0x3  }
0x94: {  	_ =	strace s5  }
0x95: {  	s5 =	sld [smem:$0x3FFC];
	_ =	sdelay $0x3  }
0x96: {  	_ =	strace s5  }
0x97: {  	s5 =	sld [smem:$0x3FFD];
	_ =	sdelay $0x3  }
0x98: {  	_ =	strace s5  }
0x99: {  	_ =	strace $0x8FFFFFFF  }
0x9a: {  	s19 =	sld [smem:$0x3FDB];
	_ =	sdelay $0x1  }
0x9b: {  	s6 =	simm.s32 $_scs_section_size  }
0x9c: {  	s7 =	simm.s32 $_size__tile_overlayer_lowered;
	s8 =	simm.s32 $_tile_overlayer_lowered  }
0x9d: {  	s22 =	simm.s32 $0x1BFF;
	s21 =	sshll.u32 s8, $0x1;
	s5 =	sadd.s32 s6, s19  }
0x9e: {  	s9 =	simm.s32 $0x0;
	s20 =	sshll.u32 s7, $0x1;
	s7 =	sadd.s32 s21, s5  }
0x9f: {  	[timem:s9], [sflag:s22] =	dma.local [hbm:s7], s20  }
0xa0: {  	_ =	swait.ge [sflag:s22], s20  }
0xa1: {  	s6 =	ssub.s32 $0x0, s20;
	[sflag:s22] =	ssyncset.done $0x0  }
0xa2: {  	[sflag:s22] =	ssyncadd.s32 s6;
	_ =	sdelay $0x1  }
0xa3: {  	s23 =	simm.s32 $0x1B8B  }
0xa4: {  	_ =	swait.ge [sflag:s23], $0x1  }
0xa5: {  	[sflag:s23] =	ssyncset.done $0x0  }
0xa6: {  	s25 =	simm.s32 $0x1B8E;
	s24 =	sld [smem:$0x3FFE];
	[sflag:s23] =	ssyncadd.s32 $0xFFFFFFFF  }
0xa7: {  	s26 =	simm.s32 $execute0_lowered;
	[smem:$0x3FD2] =	sst s25  }
0xa8: {  	s7 =	sshll.u32 s26, $0x1;
	_ =	strace $0x80000046;
	[dreg:$0x1] =	wrdreg $0xFFFFFFFF  }
0xa9: {  	s28 =	simm.s32 $_size_execute0_lowered;
	s5 =	sadd.s32 s5, s7;
	[dreg:$0x0] =	wrdreg $0x0  }
0xaa: {  	s7 =	sshll.u32 s28, $0x1;
	[dreg:$0x2] =	wrdreg s5  }
0xab: {  	[dreg:$0x3] =	wrdreg s7  }
0xac: {  	[dreg:$0x4] =	wrdreg $0xC0  }
0xad: {  	_ =	task [dreg:s9], $0x5FFFF  }
0xae: {  	[dreg:$0x1] =	wrdreg $0xFFFFFFFF  }
0xaf: {  	[dreg:$0x0] =	wrdreg $0x60  }
0xb0: {  	[dreg:$0x2] =	wrdreg s2  }
0xb1: {  	[dreg:$0x3] =	wrdreg s18  }
0xb2: {  	[dreg:$0x4] =	wrdreg s24  }
0xb3: {  	[dreg:$0x5] =	wrdreg s4  }
0xb4: {  	[dreg:$0x6] =	wrdreg $0x9  }
0xb5: {  	_ =	task.clear_ibuf [dreg:s9], $0x7FFFF;
	_ =	strace $0x90000046  }
0xb6: {  	s29 =	simm.s32 $0x9;
	_ =	strace $0x80000048  }
0xb7: {  	_ =	swait.ge [sflag:s29], $0x1  }
0xb8: {  	[sflag:s29] =	ssyncadd.s32 $0xFFFFFFFF  }
0xb9: {  	_ =	strace $0x90000048  }
0xba: {  	_ =	sfence  }
0xbb: {  	s30 =	sld [smem:$0x0];
	_ =	sdelay $0x2  }
0xbc: {  	s31 =	sshll.u32 s1, $0xD;
	s1 =	sshrl.u32 s1, $0x2  }
0xbd: {  	s3 =	sand.u32 $0x4000, s31;
	s1 =	sadd.s32 s1, s30  }
0xbe: {  	s0 =	sor.u32 s3, s0;
	s1 =	sshll.u32 s1, $0x11  }
0xbf: {  	s0 =	sor.u32 s1, s0  }
0xc0: {  	s0 =	sadd.s32 $0x8F2B, s0  }
0xc1: {  	[sflag:s0] =	ssyncadd.remote.s32 $0x1  }
0xc2: {  	_ =	sfence.sel $0xFFFF  }
0xc3: {  	[dreg:$0x0] =	wrdreg $0xFFFFFFFF;
	(pc) =	sbr.abs _section_cstart, $3  }
0xc4: {  	[dreg:$0x1] =	wrdreg $0xFFFFFFFF  }
0xc5: {  	_ =	task.clear_ibuf [dreg:s9], $0x2FFFF;
	_ =	strace $0x9FFFFFFF  }
0xc6: {  	(tm) =	ssettm $0x7FFFFFFF  }
0xc7: {  	_ =	shalt  }
tec
execute0_lowered:
.L_overlay_start_1:
0x0: {  	(tag) =	ssettag $0x1  }
0x1: {  	s0 =	rddreg [dreg:$0x0]  }
0x2: {  	s1 =	rddreg [dreg:$0x1]  }
0x3: {  	s6 =	rddreg [dreg:$0x2]  }
0x4: {  	s3 =	rddreg [dreg:$0x3];
	s2 =	simm.s32 $0x0  }
0x5: {  	[smem:$0x7FF] =	sst s2;
	s7 =	sadd.s32 $0x200, s6  }
0x6: {  	s6 =	sadd.s32 $0x400, s6;
	_ =	strace $0x80000047;
	[dreg:$0x13] =	wrdreg s7  }
0x7: {  	s11 =	simm.s32 $0x6480;
	[dreg:$0x14] =	wrdreg s6  }
0x8: {  	s4 =	srdreg.scid;
	s12 =	simm.s32 $0x6C80;
	[dreg:$0x5] =	wrdreg s11  }
0x9: {  	s10 =	stileid.u32;
	s13 =	simm.s32 $0x6500;
	[dreg:$0x6] =	wrdreg s12  }
0xa: {  	s14 =	simm.s32 $0x6D00;
	s15 =	simm.s32 $0x6580;
	[dreg:$0x7] =	wrdreg s13  }
0xb: {  	s16 =	simm.s32 $0x6D80;
	s17 =	simm.s32 $0x6600;
	[dreg:$0x8] =	wrdreg s14  }
0xc: {  	s19 =	simm.s32 $0x6E00;
	s21 =	simm.s32 $0x6680;
	[dreg:$0x9] =	wrdreg s15  }
0xd: {  	s22 =	simm.s32 $0x6E80;
	s23 =	simm.s32 $0x6700;
	[dreg:$0xa] =	wrdreg s16  }
0xe: {  	s24 =	simm.s32 $0x6F00;
	s25 =	simm.s32 $0x6780;
	[dreg:$0xb] =	wrdreg s17  }
0xf: {  	s26 =	simm.s32 $0x6F80;
	s28 =	simm.s32 $0x7280;
	[dreg:$0xc] =	wrdreg s19  }
0x10: {  	s29 =	simm.s32 $0x6B00;
	s30 =	simm.s32 $0x7300;
	[dreg:$0xd] =	wrdreg s21  }
0x11: {  	s31 =	simm.s32 $0x6B80;
	s4 =	sand.u32 $0x1, s4;
	[dreg:$0xe] =	wrdreg s22  }
0x12: {  	s5 =	ssub.s32 $0x2, s4;
	s7 =	sshll.u32 s10, $0xB;
	[dreg:$0xf] =	wrdreg s23  }
0x13: {  	s4 =	sshll.u32 s4, $0xA;
	s12 =	simm.s32 $0x6400;
	[dreg:$0x10] =	wrdreg s24  }
0x14: {  	s13 =	simm.s32 $0x6C00;
	s14 =	simm.s32 $0x7400;
	[dreg:$0x11] =	wrdreg s25  }
0x15: {  	s15 =	simm.s32 $0x1;
	[dreg:$0x12] =	wrdreg s26;
	s16 =	simm.s32 $0x6800  }
0x16: {  	s17 =	simm.s32 $0x7000;
	s19 =	simm.s32 $0x7080;
	s21 =	simm.s32 $0x7100  }
0x17: {  	s22 =	simm.s32 $0x6980;
	s23 =	simm.s32 $0x7180;
	s24 =	simm.s32 $0x6A00  }
0x18: {  	s25 =	simm.s32 $0x7200;
	s26 =	simm.s32 $0x6A80;
	s4 =	sor.u32 s4, s7  }
0x19: {  	s10 =	simm.s32 $0x0;
	s0 =	sadd.s32 s0, s4;
	s4 =	sshrl.u32 s4, $0x3  }
0x1a: {  	s9 =	sshrl.u32 s5, $0x1;
	[dreg:$0x15] =	wrdreg s0;
	s1 =	sadd.s32 s1, s4  }
0x1b: {  	s5 =	ssub.s32 s5, s9;
	s18 =	sadd.s32 s3, s4;
	[dreg:$0x16] =	wrdreg s1  }
0x1c: {  	s20 =	smax.u32 s5, $0x1;
	s0 =	simm.s32 $0x7380;
	[dreg:$0x17] =	wrdreg s18  }
0x1d: {  	[dreg:$0x18] =	wrdreg s20;
	s18 =	simm.s32 $0x6880;
	s20 =	simm.s32 $0x6900  }
.LBB2_1:
0x1e: {  	s3 =	rddreg [dreg:$0x15];
	s4 =	simm.s32 $0x2000;
	s5 =	simm.s32 $0x40000  }
0x1f: {  	[tilespmem:s2], [sflag:$0x1] =	stream.strided.gather [hbm4b:s3+s4], $0x6000, s5, s4, $0x38;
	[tilespmem:$0x7A00] =	vst v63  }
0x20: {  	s7 =	rddreg [dreg:$0x16];
	s5 =	simm.s32 $0x6000  }
0x21: {  	[tilespmem:s5], [sflag:$0x1] =	stream.linear.gather [hbm4b:s7+s2], $0x400, $0x38;
	[tilespmem:$0x7A00] =	vst v63  }
0x22: {  	s8 =	rddreg [dreg:$0x13]  }
0x23: {  	[tilespmem:s12], [sflag:$0x1] =	stream.linear.gather [hbm4b:s8+s2], $0x800, $0x38;
	[tilespmem:$0x7A00] =	vst v63  }
0x24: {  	s9 =	rddreg [dreg:$0x2]  }
0x25: {  	[tilespmem:s13], [sflag:$0x1] =	stream.linear.gather [hbm4b:s9+s2], $0x800, $0x38;
	[tilespmem:$0x7A00] =	vst v63  }
0x26: {  	s11 =	rddreg [dreg:$0x14]  }
0x27: {  	[tilespmem:s14], [sflag:$0x1] =	stream.linear.gather [hbm4b:s11+s2], $0x200, $0x38;
	[tilespmem:$0x7A00] =	vst v63  }
0x28: {  	_ =	swait.ge [sflag:s15], $0x6000  }
0x29: {  	[sflag:s15] =	ssyncset.done $0x0  }
0x2a: {  	[sflag:s15] =	ssyncadd.s32 $0xFFFFA000  }
0x2b: {  	_ =	swait.ge [sflag:s15], $0x400  }
0x2c: {  	[sflag:s15] =	ssyncset.done $0x0  }
0x2d: {  	[sflag:s15] =	ssyncadd.s32 $0xFFFFFC00  }
0x2e: {  	_ =	swait.ge [sflag:s15], $0x800  }
0x2f: {  	[sflag:s15] =	ssyncset.done $0x0  }
0x30: {  	[sflag:s15] =	ssyncadd.s32 $0xFFFFF800  }
0x31: {  	_ =	swait.ge [sflag:s15], $0x800  }
0x32: {  	[sflag:s15] =	ssyncset.done $0x0  }
0x33: {  	[sflag:s15] =	ssyncadd.s32 $0xFFFFF800  }
0x34: {  	_ =	swait.ge [sflag:s15], $0x200  }
0x35: {  	[sflag:s15] =	ssyncset.done $0x0  }
0x36: {  	s6 =	sand.u32 $0x1C00, s2;
	s3 =	sand.u32 $0x70, s2;
	[sflag:s15] =	ssyncadd.s32 $0xFFFFFE00  }
0x37: {  	s7 =	sor.u32 s3, s6;
	v0 =	vld [tilespmem:s5+$0x0]  }
0x38: {  	v4 =	vld [tilespmem:s7+$0x2200]  }
0x39: {  	v5 =	vld [tilespmem:s7+$0x2280]  }
0x3a: {  	v14 =	vld [tilespmem:s7+$0x2300]  }
0x3b: {  	v15 =	vld [tilespmem:s7+$0x2380]  }
0x3c: {  	v9 =	vld [tilespmem:s7+$0x2000]  }
0x3d: {  	v10 =	vld [tilespmem:s7+$0x2080]  }
0x3e: {  	v12 =	vld [tilespmem:s7+$0x2100]  }
0x3f: {  	v13 =	vld [tilespmem:s7+$0x2180]  }
0x40: {  	v11 =	vld [tilespmem:s7+$0x0]  }
0x41: {  	v16 =	vld [tilespmem:s7+$0x80]  }
0x42: {  	v17 =	vld [tilespmem:s7+$0x100]  }
0x43: {  	v18 =	vld [tilespmem:s7+$0x180]  }
0x44: {  	v19 =	vld [tilespmem:s7+$0x200]  }
0x45: {  	v20 =	vld [tilespmem:s7+$0x280]  }
0x46: {  	s8 =	sor.u32 s2, s2;
	v21 =	vld [tilespmem:s7+$0x300]  }
0x47: {  	s5 =	sor.u32 $0x380, s8;
	v1 =	vld [tilespmem:s7+$0x4000]  }
0x48: {  	v22 =	vld [tilespmem:s5+$0x0]  }
0x49: {  	v2 =	vld.idx.msk [tilespmem:v0+s25+$0x0], $0xffff  }
0x4a: {  	v3 =	vld.idx.msk [tilespmem:v0+s28+$0x0], $0xffff  }
0x4b: {  	v6 =	vld.idx.msk [tilespmem:v0+s30+$0x0], $0xffff  }
0x4c: {  	v7 =	vld.idx.msk [tilespmem:v0+s0+$0x0], $0xffff  }
0x4d: {  	v8 =	vld.idx.msk [tilespmem:v0+s17+$0x0], $0xffff  }
0x4e: {  	v23 =	vld.idx.msk [tilespmem:v0+s19+$0x0], $0xffff  }
0x4f: {  	v24 =	vld.idx.msk [tilespmem:v0+s24+$0x0], $0xffff  }
0x50: {  	v25 =	vld.idx.msk [tilespmem:v0+s26+$0x0], $0xffff  }
0x51: {  	v26 =	vld.idx.msk [tilespmem:v0+s29+$0x0], $0xffff  }
0x52: {  	v27 =	vld.idx.msk [tilespmem:v0+s31+$0x0], $0xffff  }
0x53: {  	s9 =	rddreg [dreg:$0x6];
	v28 =	vld.idx.msk [tilespmem:v0+s13+$0x0], $0xffff  }
0x54: {  	s11 =	rddreg [dreg:$0x8];
	v29 =	vld.idx.msk [tilespmem:v0+s9+$0x0], $0xffff  }
0x55: {  	s3 =	rddreg [dreg:$0xa];
	v30 =	vld.idx.msk [tilespmem:v0+s11+$0x0], $0xffff  }
0x56: {  	v31 =	vld.idx.msk [tilespmem:v0+s3+$0x0], $0xffff  }
0x57: {  	v32 =	vld.idx.msk [tilespmem:v0+s16+$0x0], $0xffff  }
0x58: {  	v33 =	vld.idx.msk [tilespmem:v0+s18+$0x0], $0xffff  }
0x59: {  	v34 =	vld.idx.msk [tilespmem:v0+s20+$0x0], $0xffff  }
0x5a: {  	v35 =	vld.idx.msk [tilespmem:v0+s22+$0x0], $0xffff  }
0x5b: {  	s7 =	rddreg [dreg:$0x5];
	v36 =	vld.idx.msk [tilespmem:v0+s12+$0x0], $0xffff  }
0x5c: {  	s8 =	rddreg [dreg:$0x7];
	v37 =	vld.idx.msk [tilespmem:v0+s7+$0x0], $0xffff  }
0x5d: {  	v38 =	vld.idx.msk [tilespmem:v0+s8+$0x0], $0xffff  }
0x5e: {  	s9 =	rddreg [dreg:$0x9];
	v49 =	vld.idx.msk [tilespmem:v0+s21+$0x0], $0xffff  }
0x5f: {  	s11 =	rddreg [dreg:$0xb];
	v39 =	vld.idx.msk [tilespmem:v0+s9+$0x0], $0xffff  }
0x60: {  	s3 =	rddreg [dreg:$0xd];
	v40 =	vld.idx.msk [tilespmem:v0+s11+$0x0], $0xffff  }
0x61: {  	v1 =	vtrunc.f32 v1;
	s8 =	rddreg [dreg:$0xf];
	v41 =	vld.idx.msk [tilespmem:v0+s3+$0x0], $0xffff  }
0x62: {  	v1 =	vcvt.f32.s32 v1;
	s7 =	rddreg [dreg:$0xc];
	v42 =	vld.idx.msk [tilespmem:v0+s8+$0x0], $0xffff  }
0x63: {  	s9 =	rddreg [dreg:$0x11];
	v44 =	vld.idx.msk [tilespmem:v0+s7+$0x0], $0xffff  }
0x64: {  	vm0 =	vgt.s32 v1, $0x0;
	s11 =	rddreg [dreg:$0xe];
	v43 =	vld.idx.msk [tilespmem:v0+s9+$0x0], $0xffff  }
0x65: {  	v47 =	vshll.u32 v0, $0x3;
	s3 =	rddreg [dreg:$0x10];
	v1 =	vnsel vm0, $0x0, v1;
	v45 =	vld.idx.msk [tilespmem:v0+s11+$0x0], $0xffff  }
0x66: {  	s7 =	rddreg [dreg:$0x12];
	v46 =	vld.idx.msk [tilespmem:v0+s3+$0x0], $0xffff;
	v1 =	vmin.u32 v1, $0x7;
	v24 =	vmul.f32 v24, v4;
	v25 =	vmul.f32 v25, v5  }
0x67: {  	s8 =	simm.s32 $0x10;
	v48 =	vld.idx.msk [tilespmem:v0+s7+$0x0], $0xffff;
	s11 =	simm.s32 $0x80;
	v47 =	vor.u32 v47, v1;
	v1 =	vmul.f32 v26, v14;
	v26 =	vmul.f32 v27, v15  }
0x68: {  	s4 =	simm.s32 $0x6010;
	s9 =	sand.u32 $0x70, s8;
	s3 =	sand.u32 $0x1C00, s11;
	v27 =	vld.idx.msk [tilespmem:v0+s23+$0x0], $0xffff;
	v0 =	vmul.f32 v32, v9;
	v53 =	vmul.f32 v33, v10  }
0x69: {  	s6 =	sor.u32 s9, s3;
	v56 =	vmul.f32 v34, v12;
	v57 =	vmul.f32 v35, v13;
	v24 =	vadd.f32 v2, v24;
	v2 =	vld [tilespmem:s4+$0x0]  }
0x6a: {  	v58 =	vmul.f32 v39, v18;
	v59 =	vmul.f32 v40, v19;
	v25 =	vadd.f32 v3, v25;
	v3 =	vld [tilespmem:s6+$0x2200]  }
0x6b: {  	v60 =	vmul.f32 v41, v20;
	v54 =	vadd.f32 v6, v1;
	v1 =	vmul.f32 v36, v11;
	v6 =	vld [tilespmem:s6+$0x2280]  }
0x6c: {  	v26 =	vadd.f32 v7, v26;
	v55 =	vadd.f32 v8, v0;
	v7 =	vmul.f32 v37, v16;
	v0 =	vld [tilespmem:s6+$0x2300]  }
0x6d: {  	v61 =	vmul.f32 v42, v21;
	v8 =	vmul.f32 v38, v17;
	v28 =	vadd.f32 v28, v1;
	v1 =	vld [tilespmem:s6+$0x2380]  }
0x6e: {  	v23 =	vadd.f32 v23, v53;
	v62 =	vmul.f32 v43, v22;
	v29 =	vadd.f32 v29, v7;
	v7 =	vld [tilespmem:s6+$0x2000]  }
0x6f: {  	v31 =	vadd.f32 v31, v58;
	v30 =	vadd.f32 v30, v8;
	v8 =	vld [tilespmem:s6+$0x2080];
	v24 =	vmul.f32 v24, v4  }
0x70: {  	v37 =	vadd.f32 v44, v59;
	v25 =	vmul.f32 v25, v5;
	v4 =	vld [tilespmem:s6+$0x2100];
	v36 =	vmul.f32 v55, v9  }
0x71: {  	v23 =	vmul.f32 v23, v10;
	v5 =	vld [tilespmem:s6+$0x2180];
	v18 =	vmul.f32 v31, v18  }
0x72: {  	v38 =	vadd.f32 v45, v60;
	v9 =	vld [tilespmem:s6+$0x0];
	v19 =	vmul.f32 v37, v19;
	v28 =	vmul.f32 v28, v11  }
0x73: {  	v10 =	vld [tilespmem:s6+$0x80];
	v16 =	vmul.f32 v29, v16;
	v11 =	vadd.f32 v46, v61;
	v29 =	vadd.f32 v48, v62  }
0x74: {  	v20 =	vmul.f32 v38, v20;
	v31 =	vld.idx.msk [tilespmem:v47+s14+$0x0], $0xffff;
	v17 =	vmul.f32 v30, v17;
	v30 =	vadd.f32 v49, v56  }
0x75: {  	v27 =	vadd.f32 v27, v57;
	v21 =	vmul.f32 v11, v21;
	v22 =	vmul.f32 v29, v22;
	v11 =	vld [tilespmem:s6+$0x100]  }
0x76: {  	v19 =	vadd.f32 v19, v28;
	v16 =	vadd.f32 v20, v16;
	v20 =	vmul.f32 v30, v12;
	v12 =	vld [tilespmem:s6+$0x180]  }
0x77: {  	v17 =	vadd.f32 v21, v17;
	v18 =	vadd.f32 v22, v18;
	v21 =	vmul.f32 v27, v13;
	v13 =	vld [tilespmem:s6+$0x200]  }
0x78: {  	v19 =	vadd.f32 v36, v19;
	v16 =	vadd.f32 v23, v16;
	v22 =	vmul.f32 v54, v14;
	v14 =	vld [tilespmem:s6+$0x280]  }
0x79: {  	v27 =	vld [tilespmem:s6+$0x4000];
	v17 =	vadd.f32 v20, v17;
	v18 =	vadd.f32 v21, v18;
	v20 =	vmul.f32 v26, v15  }
0x7a: {  	v29 =	vld.idx.msk [tilespmem:v2+s26+$0x0], $0xffff;
	v19 =	vadd.f32 v24, v19;
	v21 =	vadd.f32 v25, v16  }
0x7b: {  	v30 =	vld.idx.msk [tilespmem:v2+s29+$0x0], $0xffff;
	v17 =	vadd.f32 v22, v17;
	v20 =	vadd.f32 v20, v18  }
0x7c: {  	v28 =	vld.idx.msk [tilespmem:v2+s31+$0x0], $0xffff  }
0x7d: {  	v37 =	vld.idx.msk [tilespmem:v2+s16+$0x0], $0xffff;
	v21 =	vadd.f32 v21, v19;
	v17 =	vadd.f32 v20, v17  }
0x7e: {  	v33 =	vld.idx.msk [tilespmem:v2+s18+$0x0], $0xffff  }
0x7f: {  	v35 =	vld.idx.msk [tilespmem:v2+s20+$0x0], $0xffff;
	v20 =	vadd.f32 v17, v21  }
0x80: {  	v32 =	vld.idx.msk [tilespmem:v2+s22+$0x0], $0xffff  }
0x81: {  	s7 =	rddreg [dreg:$0x5];
	v36 =	vld.idx.msk [tilespmem:v2+s12+$0x0], $0xffff;
	v23 =	vadd.f32 v20, v31  }
0x82: {  	s5 =	sor.u32 s11, s8;
	v34 =	vld.idx.msk [tilespmem:v2+s7+$0x0], $0xffff  }
0x83: {  	s5 =	sor.u32 $0x380, s5;
	v15 =	vld [tilespmem:s6+$0x300];
	v23 =	vmul.f32 $1.442695020e+00, v23  }
0x84: {  	v16 =	vld [tilespmem:s5+$0x0]  }
0x85: {  	s8 =	rddreg [dreg:$0x6];
	v24 =	vld.idx.msk [tilespmem:v2+s13+$0x0], $0xffff;
	(erf) = vpow2.f32 v23  }
0x86: {  	s3 =	rddreg [dreg:$0xa];
	v26 =	vld.idx.msk [tilespmem:v2+s8+$0x0], $0xffff  }
0x87: {  	v25 =	vld.idx.msk [tilespmem:v2+s3+$0x0], $0xffff  }
0x88: {  	v18 =	vld.idx.msk [tilespmem:v2+s25+$0x0], $0xffff  }
0x89: {  	v22 =	vld.idx.msk [tilespmem:v2+s28+$0x0], $0xffff  }
0x8a: {  	v19 =	vld.idx.msk [tilespmem:v2+s30+$0x0], $0xffff  }
0x8b: {  	v31 =	vld.idx.msk [tilespmem:v2+s24+$0x0], $0xffff  }
0x8c: {  	s9 =	rddreg [dreg:$0x8];
	v21 =	vld.idx.msk [tilespmem:v2+s0+$0x0], $0xffff  }
0x8d: {  	s7 =	rddreg [dreg:$0xb];
	v17 =	vld.idx.msk [tilespmem:v2+s17+$0x0], $0xffff  }
0x8e: {  	s1 =	simm.s32 $0x7600;
	s8 =	rddreg [dreg:$0x7];
	v20 =	vld.idx.msk [tilespmem:v2+s19+$0x0], $0xffff;
	v63 =	vpop (erf)  }
0x8f: {  	s6 =	simm.s32 $0x20;
	s5 =	simm.s32 $0x7600;
	v23 =	vld.idx.msk [tilespmem:v2+s9+$0x0], $0xffff;
	s9 =	rddreg [dreg:$0x9];
	[tilespmem:s1+$0x0] =	vst v63  }
.LBB2_2:
0x90: {  	v38 =	vld.idx.msk [tilespmem:v2+s8+$0x0], $0xffff;
	v27 =	vtrunc.f32 v27;
	v31 =	vmul.f32 v31, v3  }
0x91: {  	v39 =	vld.idx.msk [tilespmem:v2+s9+$0x0], $0xffff;
	v29 =	vmul.f32 v29, v6;
	v30 =	vmul.f32 v30, v0  }
0x92: {  	v41 =	vld.idx.msk [tilespmem:v2+s7+$0x0], $0xffff;
	v28 =	vmul.f32 v28, v1;
	v27 =	vcvt.f32.s32 v27  }
0x93: {  	s8 =	rddreg [dreg:$0xd];
	v37 =	vmul.f32 v37, v7;
	v33 =	vmul.f32 v33, v8  }
0x94: {  	s1 =	rddreg [dreg:$0xf];
	v42 =	vld.idx.msk [tilespmem:v2+s8+$0x0], $0xffff;
	v35 =	vmul.f32 v35, v4;
	v36 =	vmul.f32 v36, v9  }
0x95: {  	s7 =	rddreg [dreg:$0x11];
	v43 =	vld.idx.msk [tilespmem:v2+s1+$0x0], $0xffff;
	v32 =	vmul.f32 v32, v5;
	v34 =	vmul.f32 v34, v10  }
0x96: {  	v40 =	vshll.u32 v2, $0x3;
	s3 =	rddreg [dreg:$0xc];
	v44 =	vld.idx.msk [tilespmem:v2+s7+$0x0], $0xffff;
	v38 =	vmul.f32 v38, v11;
	v39 =	vmul.f32 v39, v12  }
0x97: {  	v59 =	vld.idx.msk [tilespmem:v2+s3+$0x0], $0xffff;
	v18 =	vadd.f32 v18, v31;
	v22 =	vadd.f32 v22, v29;
	v29 =	vmul.f32 v41, v13  }
0x98: {  	v61 =	vld.idx.msk [tilespmem:v2+s21+$0x0], $0xffff;
	s8 =	rddreg [dreg:$0xe];
	v19 =	vadd.f32 v19, v30;
	v21 =	vadd.f32 v21, v28;
	vm0 =	vgt.s32 v27, $0x0  }
0x99: {  	s1 =	rddreg [dreg:$0x10];
	v45 =	vld.idx.msk [tilespmem:v2+s8+$0x0], $0xffff;
	v28 =	vmul.f32 v42, v14;
	v17 =	vadd.f32 v17, v37;
	v20 =	vadd.f32 v20, v33  }
0x9a: {  	s7 =	rddreg [dreg:$0x12];
	v31 =	vld.idx.msk [tilespmem:v2+s1+$0x0], $0xffff;
	v24 =	vadd.f32 v24, v36;
	v26 =	vadd.f32 v26, v34;
	v60 =	vmul.f32 v43, v15  }
0x9b: {  	s11 =	sadd.s32 $0x80, s11;
	v30 =	vld.idx.msk [tilespmem:v2+s7+$0x0], $0xffff;
	v62 =	vmul.f32 v44, v16;
	v27 =	vnsel vm0, $0x0, v27;
	v23 =	vadd.f32 v23, v38  }
0x9c: {  	v63 =	vld.idx.msk [tilespmem:v2+s23+$0x0], $0xffff;
	s4 =	sadd.s32 $0x10, s4;
	s9 =	sand.u32 $0x1C00, s11;
	s8 =	sand.u32 $0x70, s6;
	v25 =	vadd.f32 v25, v39;
	v29 =	vadd.f32 v59, v29;
	v18 =	vmul.f32 v18, v3  }
0x9d: {  	v2 =	vld [tilespmem:s4+$0x0];
	s7 =	sor.u32 s8, s9;
	v22 =	vmul.f32 v22, v6;
	v27 =	vmin.u32 v27, $0x7;
	v17 =	vmul.f32 v17, v7  }
0x9e: {  	v3 =	vld [tilespmem:s7+$0x2200];
	v28 =	vadd.f32 v45, v28;
	v20 =	vmul.f32 v20, v8;
	v9 =	vmul.f32 v24, v9  }
0x9f: {  	v6 =	vld [tilespmem:s7+$0x2280];
	v10 =	vmul.f32 v26, v10;
	v26 =	vadd.f32 v61, v35;
	v11 =	vmul.f32 v23, v11  }
0xa0: {  	v24 =	vld [tilespmem:s7+$0x2300];
	v12 =	vmul.f32 v25, v12;
	v8 =	vadd.f32 v31, v60;
	v23 =	vadd.f32 v30, v62  }
0xa1: {  	v7 =	vld [tilespmem:s7+$0x2000];
	v27 =	vor.u32 v40, v27;
	v13 =	vmul.f32 v29, v13;
	v14 =	vmul.f32 v28, v14  }
0xa2: {  	v25 =	vld [tilespmem:s7+$0x2380];
	v15 =	vmul.f32 v8, v15;
	v16 =	vmul.f32 v23, v16;
	v23 =	vadd.f32 v63, v32  }
0xa3: {  	v9 =	vadd.f32 v13, v9;
	v13 =	vmul.f32 v26, v4;
	v4 =	vld [tilespmem:s7+$0x2100];
	v10 =	vadd.f32 v14, v10  }
0xa4: {  	v8 =	vld [tilespmem:s7+$0x2080];
	v11 =	vadd.f32 v15, v11;
	v12 =	vadd.f32 v16, v12;
	v14 =	vmul.f32 v23, v5  }
0xa5: {  	v31 =	vld.idx.msk [tilespmem:v2+s24+$0x0], $0xffff;
	v15 =	vadd.f32 v17, v9;
	v16 =	vadd.f32 v20, v10;
	v17 =	vmul.f32 v19, v0  }
0xa6: {  	v29 =	vld.idx.msk [tilespmem:v2+s26+$0x0], $0xffff;
	v11 =	vadd.f32 v13, v11;
	v12 =	vadd.f32 v14, v12;
	v13 =	vmul.f32 v21, v1  }
0xa7: {  	v30 =	vld.idx.msk [tilespmem:v2+s29+$0x0], $0xffff;
	v14 =	vadd.f32 v18, v15;
	v15 =	vadd.f32 v22, v16  }
0xa8: {  	v28 =	vld.idx.msk [tilespmem:v2+s31+$0x0], $0xffff;
	v16 =	vadd.f32 v17, v11;
	v13 =	vadd.f32 v13, v12  }
0xa9: {  	s8 =	rddreg [dreg:$0x6];
	v18 =	vld.idx.msk [tilespmem:v27+s14+$0x0], $0xffff  }
0xaa: {  	v26 =	vld.idx.msk [tilespmem:v2+s8+$0x0], $0xffff;
	v15 =	vadd.f32 v15, v14;
	v16 =	vadd.f32 v13, v16  }
0xab: {  	v5 =	vld [tilespmem:s7+$0x2180]  }
0xac: {  	v9 =	vld [tilespmem:s7+$0x0];
	v17 =	vadd.f32 v16, v15  }
0xad: {  	v10 =	vld [tilespmem:s7+$0x80]  }
0xae: {  	v19 =	vld.idx.msk [tilespmem:v2+s30+$0x0], $0xffff;
	v17 =	vadd.f32 v17, v18  }
0xaf: {  	v20 =	vld.idx.msk [tilespmem:v2+s19+$0x0], $0xffff  }
0xb0: {  	s9 =	rddreg [dreg:$0x8];
	v0 =	vmov v24;
	v24 =	vld.idx.msk [tilespmem:v2+s13+$0x0], $0xffff;
	v17 =	vmul.f32 $1.442695020e+00, v17  }
0xb1: {  	v23 =	vld.idx.msk [tilespmem:v2+s9+$0x0], $0xffff  }
0xb2: {  	v27 =	vld [tilespmem:s7+$0x4000];
	(erf) = vpow2.f32 v17  }
0xb3: {  	v22 =	vld.idx.msk [tilespmem:v2+s28+$0x0], $0xffff  }
0xb4: {  	v21 =	vld.idx.msk [tilespmem:v2+s0+$0x0], $0xffff  }
0xb5: {  	v11 =	vld [tilespmem:s7+$0x100]  }
0xb6: {  	v12 =	vld [tilespmem:s7+$0x180]  }
0xb7: {  	v14 =	vld [tilespmem:s7+$0x280]  }
0xb8: {  	s1 =	sor.u32 s11, s6;
	v13 =	vld [tilespmem:s7+$0x200]  }
0xb9: {  	s3 =	sor.u32 $0x380, s1;
	v15 =	vld [tilespmem:s7+$0x300]  }
0xba: {  	v16 =	vld [tilespmem:s3+$0x0]  }
0xbb: {  	s5 =	sadd.s32 $0x10, s5;
	v1 =	vmov v25;
	v18 =	vld.idx.msk [tilespmem:v2+s25+$0x0], $0xffff;
	v25 =	vpop (erf)  }
0xbc: {  	s1 =	rddreg [dreg:$0xa];
	v17 =	vld.idx.msk [tilespmem:v2+s17+$0x0], $0xffff;
	[tilespmem:s5+$0x0] =	vst v25  }
0xbd: {  	v25 =	vld.idx.msk [tilespmem:v2+s1+$0x0], $0xffff  }
0xbe: {  	p0 =	sne.s32 s6, $0x3F0;
	v37 =	vld.idx.msk [tilespmem:v2+s16+$0x0], $0xffff  }
.Ltmp0:
0xbf: {  	v33 =	vld.idx.msk [tilespmem:v2+s18+$0x0], $0xffff;
	(pc) =	sbr.rel @p0 .LBB2_2-.Ltmp0, $4  }
0xc0: {  	s8 =	rddreg [dreg:$0x7];
	v35 =	vld.idx.msk [tilespmem:v2+s20+$0x0], $0xffff  }
0xc1: {  	s9 =	rddreg [dreg:$0x9];
	v32 =	vld.idx.msk [tilespmem:v2+s22+$0x0], $0xffff  }
0xc2: {  	s7 =	rddreg [dreg:$0x5];
	v36 =	vld.idx.msk [tilespmem:v2+s12+$0x0], $0xffff  }
0xc3: {  	s6 =	sadd.s32 $0x10, s6;
	v34 =	vld.idx.msk [tilespmem:v2+s7+$0x0], $0xffff;
	s7 =	rddreg [dreg:$0xb]  }
0xc4: {  	_ =	sdelay $0x3  }
0xc5: {  	v27 =	vtrunc.f32 v27;
	v38 =	vld.idx.msk [tilespmem:v2+s8+$0x0], $0xffff;
	v31 =	vmul.f32 v31, v3  }
0xc6: {  	v39 =	vld.idx.msk [tilespmem:v2+s9+$0x0], $0xffff;
	v29 =	vmul.f32 v29, v6;
	v30 =	vmul.f32 v30, v0  }
0xc7: {  	v41 =	vld.idx.msk [tilespmem:v2+s7+$0x0], $0xffff;
	v37 =	vmul.f32 v37, v7;
	v28 =	vmul.f32 v28, v1  }
0xc8: {  	s3 =	rddreg [dreg:$0xd];
	v40 =	vshll.u32 v2, $0x3;
	v33 =	vmul.f32 v33, v8;
	v62 =	vld.idx.msk [tilespmem:v2+s21+$0x0], $0xffff;
	v27 =	vcvt.f32.s32 v27  }
0xc9: {  	s4 =	rddreg [dreg:$0xf];
	v42 =	vld.idx.msk [tilespmem:v2+s3+$0x0], $0xffff;
	v35 =	vmul.f32 v35, v4;
	v18 =	vadd.f32 v18, v31;
	v22 =	vadd.f32 v22, v29  }
0xca: {  	s6 =	rddreg [dreg:$0x11];
	v43 =	vld.idx.msk [tilespmem:v2+s4+$0x0], $0xffff;
	v32 =	vmul.f32 v32, v5;
	v19 =	vadd.f32 v19, v30;
	v21 =	vadd.f32 v21, v28  }
0xcb: {  	s9 =	rddreg [dreg:$0xc];
	v44 =	vld.idx.msk [tilespmem:v2+s6+$0x0], $0xffff;
	v17 =	vadd.f32 v17, v37;
	v20 =	vadd.f32 v20, v33;
	vm0 =	vgt.s32 v27, $0x0  }
0xcc: {  	s11 =	rddreg [dreg:$0xe];
	v55 =	vld.idx.msk [tilespmem:v2+s9+$0x0], $0xffff;
	v36 =	vmul.f32 v36, v9;
	v27 =	vnsel vm0, $0x0, v27;
	v34 =	vmul.f32 v34, v10  }
0xcd: {  	s1 =	rddreg [dreg:$0x10];
	v56 =	vld.idx.msk [tilespmem:v2+s11+$0x0], $0xffff;
	v45 =	vmul.f32 v20, v8;
	v27 =	vmin.u32 v27, $0x7;
	v38 =	vmul.f32 v38, v11  }
0xce: {  	s7 =	rddreg [dreg:$0x12];
	v58 =	vld.idx.msk [tilespmem:v2+s1+$0x0], $0xffff;
	v39 =	vmul.f32 v39, v12;
	v57 =	vmul.f32 v41, v13;
	v24 =	vadd.f32 v24, v36  }
0xcf: {  	v60 =	vld.idx.msk [tilespmem:v2+s7+$0x0], $0xffff;
	v41 =	vmul.f32 v18, v3;
	v54 =	vadd.f32 v62, v35;
	v59 =	vmul.f32 v42, v14  }
0xd0: {  	v26 =	vadd.f32 v26, v34;
	v61 =	vmul.f32 v43, v15;
	v63 =	vmul.f32 v44, v16  }
0xd1: {  	v42 =	vmul.f32 v22, v6;
	v44 =	vmul.f32 v17, v7;
	v25 =	vadd.f32 v25, v39;
	v39 =	vld.idx.msk [tilespmem:v2+s23+$0x0], $0xffff  }
0xd2: {  	v23 =	vadd.f32 v23, v38;
	v31 =	vadd.f32 v55, v57;
	v46 =	vmul.f32 v24, v9  }
0xd3: {  	v43 =	vadd.f32 v56, v59;
	v47 =	vmul.f32 v26, v10;
	v48 =	vadd.f32 v58, v61  }
0xd4: {  	v51 =	vadd.f32 v60, v63;
	v49 =	vmul.f32 v23, v11;
	v50 =	vmul.f32 v25, v12  }
0xd5: {  	v27 =	vor.u32 v40, v27;
	v52 =	vmul.f32 v31, v13;
	v53 =	vmul.f32 v43, v14  }
0xd6: {  	v55 =	vmul.f32 v48, v15;
	v56 =	vmul.f32 v51, v16;
	v2 =	vadd.f32 v39, v32  }
0xd7: {  	v57 =	vmul.f32 v54, v4;
	v9 =	vadd.f32 v52, v46;
	v10 =	vadd.f32 v53, v47  }
0xd8: {  	v11 =	vadd.f32 v55, v49;
	v12 =	vadd.f32 v56, v50;
	v2 =	vmul.f32 v2, v5  }
0xd9: {  	v60 =	vmul.f32 v19, v0;
	v58 =	vadd.f32 v44, v9;
	v59 =	vadd.f32 v45, v10  }
0xda: {  	v61 =	vmul.f32 v21, v1;
	v4 =	vadd.f32 v57, v11;
	v2 =	vadd.f32 v2, v12  }
0xdb: {  	v3 =	vadd.f32 v41, v58;
	v62 =	vadd.f32 v42, v59  }
0xdc: {  	v0 =	vadd.f32 v60, v4;
	v1 =	vadd.f32 v61, v2  }
0xdd: {  	v63 =	vld.idx.msk [tilespmem:v27+s14+$0x0], $0xffff  }
0xde: {  	v3 =	vadd.f32 v62, v3;
	v0 =	vadd.f32 v1, v0;
	_ =	sdelay $0x1  }
0xdf: {  	v0 =	vadd.f32 v0, v3;
	_ =	sdelay $0x1  }
0xe0: {  	v0 =	vadd.f32 v0, v63;
	_ =	sdelay $0x1  }
0xe1: {  	v0 =	vmul.f32 $1.442695020e+00, v0;
	_ =	sdelay $0x1  }
0xe2: {  	(erf) = vpow2.f32 v0;
	_ =	sdelay $0x8  }
0xe3: {  	s8 =	sadd.s32 $0x10, s5;
	v0 =	vpop (erf)  }
0xe4: {  	[tilespmem:s8+$0x0] =	vst v0  }
0xe5: {  	s1 =	simm.s32 $0x7600;
	s9 =	simm.s32 $0x2;
	s3 =	rddreg [dreg:$0x17]  }
0xe6: {  	[hbm4b:s3+s2] =	stream.linear.scatter [tilespmem:s1], [sflag:$0x2], $0x400, $0x38;
	[tilespmem:$0x7A00] =	vst v63  }
0xe7: {  	_ =	swait.ge [sflag:s9], $0x400  }
0xe8: {  	s10 =	sadd.s32 $0x1, s10;
	s11 =	rddreg [dreg:$0x18]  }
0xe9: {  	p0 =	sne.s32 s10, s11  }
.Ltmp1:
0xea: {  	_ = 	snop;
	(pc) =	sbr.rel @p0 .LBB2_1-.Ltmp1, $3  }
0xeb: {  	_ =	sdelay $0x1  }
0xec: {  	[sflag:s9] =	ssyncset.done $0x0  }
0xed: {  	[sflag:s9] =	ssyncadd.s32 $0xFFFFFC00  }
0xee: {  	_ =	sfence.sel $0x180000  }
0xef: {  	[bflag:$0x0] =	sbarrier.arrive $0xFFFF  }
0xf0: {  	_ =	strace $0x90000047  }
0xf1: {  	s0 =	stileid.u32;
	[bflag:$0x2] =	sbarrier.arrive $0xFFFF  }
0xf2: {  	p0 =	sne.s32 s0, $0x0;
	s0 =	rddreg [dreg:$0x4]  }
0xf3: {  	s0 =	sadd.s32 @!p0 $0x100000, s0  }
0xf4: {  	[sflag:s0] =	ssyncadd.tile.s32 @!p0 $0x1;
	_ =	shalt  }
.Lfunc_end2:
_tile_overlayer_lowered:
.L_overlay_start_2:
0xf5: {  	(tag) =	ssettag $0x2  }
0xf6: {  	s0 =	rddreg [dreg:$0x0];
	s2 =	stileid.u32  }
0xf7: {  	s1 =	rddreg [dreg:$0x1];
	p0 =	sne.s32 s2, $0x0  }
0xf8: {  	s3 =	rddreg [dreg:$0x2];
	[bflag:$0x3] =	sbarrier.arrive $0xFFFF;
	s2 =	simm.s32 @!p0 $0x1C02  }
0xf9: {  	[timem:s3], [sflag:s2] =	dma.local @!p0 [hbm:s0], s1  }
0xfa: {  	s0 =	simm.s32 @!p0 $0x2  }
0xfb: {  	_ =	swait.ge @!p0 [sflag:s0], s1  }
0xfc: {  	s1 =	ssub.s32 @!p0 $0x0, s1;
	[sflag:s0] =	ssyncset.done @!p0 $0x0  }
0xfd: {  	[sflag:s0] =	ssyncadd.s32 @!p0 s1  }
0xfe: {  	[bflag:$0x3] =	sbarrier.arrive $0xFFFF  }
0xff: {  	_ =	shalt  }

</sc_bundles>
